<compile_context>
chip_gen: v7x
topology: tpu7x:2x2x1
jax: 0.10.2.dev20260603
libtpu: 0.0.44.dev20260713+nightly
codegen_flags: <defaults>
</compile_context>

<pallas_src>
import functools

import jax
import jax.numpy as jnp
from jax import lax
from jax.experimental import pallas as pl
from jax.experimental.pallas import tpu as pltpu
from jax.experimental.pallas import tpu_sc as plsc

N_NODES = 50000
N_EDGES = 800000
IN_CH = 7
HEADS = 4
HID = 16
N_IDS = 8192
HC = HEADS * HID

NP = 50176
BLK = 1024
EPT = 50176
EK = 128
N_CHUNK = EPT // EK
IDS_PT = N_IDS // 16
PAD_NODE = NP - 1


def _one_hot_heads(dtype=jnp.float32):
    jj = lax.broadcasted_iota(jnp.int32, (HC, HEADS), 0)
    hh = lax.broadcasted_iota(jnp.int32, (HC, HEADS), 1)
    return ((jj // HID) == hh).astype(dtype)



def _prep_body(x_ref, w_ref, atts_ref, attd_ref,
               xwcat_ref, asrc_ref, adst_ref,
               asum0_ref, acc0cat_ref):
    S = _one_hot_heads()
    xw = jnp.dot(x_ref[...], w_ref[...], preferred_element_type=jnp.float32)
    asrc = jnp.dot(xw * atts_ref[...], S, preferred_element_type=jnp.float32)
    adst = jnp.dot(xw * attd_ref[...], S, preferred_element_type=jnp.float32)
    t = asrc + adst
    es = jnp.exp(jnp.maximum(t, 0.2 * t))
    acc0 = xw * jnp.dot(es, S.T, preferred_element_type=jnp.float32)
    xwcat_ref[0] = xw[:, :32]
    xwcat_ref[1] = xw[:, 32:]
    asrc_ref[...] = asrc
    adst_ref[...] = adst
    asum0_ref[0] = es[:, 0:2]
    asum0_ref[1] = es[:, 2:4]
    acc0cat_ref[0] = acc0[:, :32]
    acc0cat_ref[1] = acc0[:, 32:]


def _run_prep(xp, W, att_src, att_dst):
    grid = NP // BLK
    rowspec = lambda w: pl.BlockSpec((BLK, w), lambda i: (i, 0))
    catspec = pl.BlockSpec((2, BLK, 32), lambda i: (0, i, 0))
    full = lambda a: pl.BlockSpec(a.shape, lambda i: (0,) * a.ndim)
    out_shapes = (
        jax.ShapeDtypeStruct((2, NP, 32), jnp.float32),
        jax.ShapeDtypeStruct((NP, HEADS), jnp.float32),
        jax.ShapeDtypeStruct((NP, HEADS), jnp.float32),
        jax.ShapeDtypeStruct((2, NP, 2), jnp.float32),
        jax.ShapeDtypeStruct((2, NP, 32), jnp.float32),
    )
    atts = att_src.reshape(1, HC)
    attd = att_dst.reshape(1, HC)
    return pl.pallas_call(
        _prep_body,
        grid=(grid,),
        in_specs=[rowspec(IN_CH), full(W), full(atts), full(attd)],
        out_specs=(catspec, rowspec(HEADS), rowspec(HEADS),
                   pl.BlockSpec((2, BLK, 2), lambda i: (0, i, 0)), catspec),
        out_shape=out_shapes,
    )(xp, W, atts, attd)





def _edge_kernel(src_hbm, dst_hbm, asrc_hbm, adst_hbm,
                 xwcat_hbm, acc0cat_hbm, asum0_hbm, ids_hbm,
                 outacc_hbm, outasum_hbm,
                 accum_sp, asum_sp,
                 srcv, dstv, xsrcv, asr, adr, xwr, ebuf, msg, gsem, ssem,
                 idsv, orow, oasum, sem0):
    c = lax.axis_index("c")
    s = lax.axis_index("s")

    ini = s * (NP // 16)
    nrows = NP // 16
    pltpu.sync_copy(acc0cat_hbm.at[pl.ds(c * NP + ini, nrows)],
                    accum_sp.at[pl.ds(ini, nrows)])
    pltpu.sync_copy(asum0_hbm.at[pl.ds(c * NP + ini, nrows)],
                    asum_sp.at[pl.ds(ini, nrows)])
    plsc.subcore_barrier()

    two_c = 2 * c
    io16 = lax.iota(jnp.int32, 16)
    row4 = io16 // 4
    col4 = io16 % 4

    def stage_in(q, b):
        ebase = s * EPT + q * EK
        pltpu.sync_copy(src_hbm.at[pl.ds(ebase, EK)], srcv[b])
        pltpu.sync_copy(dst_hbm.at[pl.ds(ebase, EK)], dstv[b])
        for t in range(EK // 16):
            xsrcv[b][pl.ds(16 * t, 16)] = srcv[b][pl.ds(16 * t, 16)] + c * NP
        pltpu.async_copy(asrc_hbm.at[srcv[b]], asr[b], gsem[b])
        pltpu.async_copy(adst_hbm.at[dstv[b]], adr[b], gsem[b])
        pltpu.async_copy(xwcat_hbm.at[xsrcv[b]], xwr[b], gsem[b])

    def drain(b):
        pltpu.make_async_copy(asrc_hbm.at[srcv[b]], asr[b], gsem[b]).wait()
        pltpu.make_async_copy(adst_hbm.at[dstv[b]], adr[b], gsem[b]).wait()
        pltpu.make_async_copy(xwcat_hbm.at[xsrcv[b]], xwr[b], gsem[b]).wait()

    def compute(b):
        drain(b)

        def quad_body(j, carry2):
            r4 = 4 * j + row4
            a_s = plsc.load_gather(asr[b], [r4, col4])
            a_d = plsc.load_gather(adr[b], [r4, col4])
            t = a_s + a_d
            e16 = jnp.exp(jnp.maximum(t, 0.2 * t))
            col2 = jnp.clip(col4 - two_c, 0, 1)
            mym = (col4 - two_c == col2)
            plsc.store_scatter(ebuf, [r4, col2], e16, mask=mym)
            zero16 = jnp.zeros((16,), jnp.int32)
            for i in range(4):
                k = 4 * j + i
                kf = jnp.full((16,), k, jnp.int32)
                e0 = plsc.load_gather(ebuf, [kf, zero16])
                e1 = plsc.load_gather(ebuf, [kf, zero16 + 1])
                x0 = plsc.load_gather(xwr[b], [kf, io16])
                x1 = plsc.load_gather(xwr[b], [kf, io16 + 16])
                plsc.store_scatter(msg, [kf, io16], x0 * e0)
                plsc.store_scatter(msg, [kf, io16 + 16], x1 * e1)
            return carry2
        lax.fori_loop(0, EK // 4, quad_body, 0, unroll=2)

        pltpu.async_copy(msg, accum_sp.at[dstv[b]], ssem, add=True)
        pltpu.async_copy(ebuf, asum_sp.at[dstv[b]], ssem, add=True)
        pltpu.make_async_copy(msg, accum_sp.at[dstv[b]], ssem).wait()
        pltpu.make_async_copy(ebuf, asum_sp.at[dstv[b]], ssem).wait()

    stage_in(0, 0)

    def pair_body(i, carry):
        q0 = 2 * i
        stage_in(q0 + 1, 1)
        compute(0)
        stage_in(q0 + 2, 0)
        compute(1)
        return carry
    lax.fori_loop(0, N_CHUNK // 2, pair_body, 0, unroll=False)
    drain(0)

    plsc.subcore_barrier()

    def ids_body(u, carry):
        base = s * IDS_PT + u * EK
        pltpu.sync_copy(ids_hbm.at[pl.ds(base, EK)], idsv)
        pltpu.async_copy(accum_sp.at[idsv], orow, sem0).wait()
        pltpu.async_copy(asum_sp.at[idsv], oasum, sem0).wait()
        pltpu.sync_copy(orow, outacc_hbm.at[pl.ds(c * N_IDS + base, EK)])
        pltpu.sync_copy(oasum, outasum_hbm.at[pl.ds(c * N_IDS + base, EK)])
        return carry
    lax.fori_loop(0, IDS_PT // EK, ids_body, 0, unroll=False)


def _run_edges(srcp, dstp, asrc, adst, xwcat2, acc0cat2, asum0, ids):
    mesh = plsc.VectorSubcoreMesh(core_axis_name="c", subcore_axis_name="s")
    f32 = jnp.float32
    out_type = (
        jax.ShapeDtypeStruct((2 * N_IDS, 32), f32),
        jax.ShapeDtypeStruct((2 * N_IDS, 2), f32),
    )
    scratch = [
        pltpu.VMEM_SHARED((NP, 32), f32),
        pltpu.VMEM_SHARED((NP, 2), f32),
        [pltpu.VMEM((EK,), jnp.int32)] * 2,
        [pltpu.VMEM((EK,), jnp.int32)] * 2,
        [pltpu.VMEM((EK,), jnp.int32)] * 2,
        [pltpu.VMEM((EK, HEADS), f32)] * 2,
        [pltpu.VMEM((EK, HEADS), f32)] * 2,
        [pltpu.VMEM((EK, 32), f32)] * 2,
        pltpu.VMEM((EK, 2), f32),
        pltpu.VMEM((EK, 32), f32),
        [pltpu.SemaphoreType.DMA] * 2,
        pltpu.SemaphoreType.DMA,
        pltpu.VMEM((EK,), jnp.int32),
        pltpu.VMEM((EK, 32), f32),
        pltpu.VMEM((EK, 2), f32),
        pltpu.SemaphoreType.DMA,
    ]
    run = pl.kernel(_edge_kernel, out_type=out_type, mesh=mesh,
                    scratch_types=scratch,
                    compiler_params=pltpu.CompilerParams(
                        use_tc_tiling_on_sc=False,
                        needs_layout_passes=False))
    return run(srcp, dstp, asrc, adst, xwcat2, acc0cat2, asum0, ids)



def _finish_body(acc_ref, g_ref, bias_ref, gam_ref, bet_ref, lw_ref, lb_ref,
                 out_ref):
    S = _one_hot_heads()
    denom = jnp.dot(g_ref[...] + 1e-16, S.T, preferred_element_type=jnp.float32)
    out = acc_ref[...] / denom + bias_ref[...]
    mu = jnp.mean(out, axis=-1, keepdims=True)
    d = out - mu
    var = jnp.mean(d * d, axis=-1, keepdims=True)
    y = d / jnp.sqrt(var + 1e-5) * gam_ref[...] + bet_ref[...]
    logits = jnp.dot(y, lw_ref[...], preferred_element_type=jnp.float32) \
        + lb_ref[...]
    m = jnp.max(logits, axis=-1, keepdims=True)
    p = jnp.exp(logits - m)
    out_ref[...] = p / jnp.sum(p, axis=-1, keepdims=True)


def _run_finish(acc64, gsum, bias, ln_gamma, ln_beta, lin_W, lin_b):
    grid = 8
    rb = N_IDS // grid
    rowspec = lambda w: pl.BlockSpec((rb, w), lambda i: (i, 0))
    full = lambda a: pl.BlockSpec(a.shape, lambda i: (0,) * a.ndim)
    bias2 = bias.reshape(1, HC)
    gam2 = ln_gamma.reshape(1, HC)
    bet2 = ln_beta.reshape(1, HC)
    lb2 = lin_b.reshape(1, 7)
    return pl.pallas_call(
        _finish_body,
        grid=(grid,),
        in_specs=[rowspec(HC), rowspec(HEADS), full(bias2), full(gam2),
                  full(bet2), full(lin_W), full(lb2)],
        out_specs=rowspec(7),
        out_shape=jax.ShapeDtypeStruct((N_IDS, 7), jnp.float32),
    )(acc64, gsum, bias2, gam2, bet2, lin_W, lb2)



def kernel(x, edge_index, edge_weight, ids, W, att_src, att_dst, bias,
           ln_gamma, ln_beta, lin_W, lin_b):
    del edge_weight
    xp = jnp.pad(x, ((0, NP - N_NODES), (0, 0)))
    xwcat, asrc, adst, asum0, acc0cat = _run_prep(xp, W, att_src, att_dst)

    pad_e = 16 * EPT + EK - N_EDGES
    padv = jnp.full((pad_e,), PAD_NODE, jnp.int32)
    srcp = jnp.concatenate([edge_index[0], padv])
    dstp = jnp.concatenate([edge_index[1], padv])

    outacc, outasum = _run_edges(
        srcp, dstp, asrc, adst, xwcat.reshape(2 * NP, 32),
        acc0cat.reshape(2 * NP, 32), asum0.reshape(2 * NP, 2), ids)

    acc64 = jnp.concatenate([outacc[:N_IDS], outacc[N_IDS:]], axis=1)
    gsum = jnp.concatenate([outasum[:N_IDS], outasum[N_IDS:]], axis=1)
    return _run_finish(acc64, gsum, bias, ln_gamma, ln_beta, lin_W, lin_b)

# --- scband reference (transcript-rebuilt; emitter-appended) ---
"""Pipeline reference for scband-gcnclassification-57140244906592 (READ-ONLY COPY).

The authoritative reference and input builder live on the scoring server;
editing this copy changes nothing except your own understanding.
"""

import jax, jax.numpy as jnp
import numpy as np

N_NODES = 50000
N_EDGES = 800000
IN_CH = 7
HEADS = 4
HID = 16
N_IDS = 8192


def setup_inputs(seed: int = 0) -> dict:
    key = jax.random.key(seed)
    ks = jax.random.split(key, 12)
    x = jax.random.normal(ks[0], (N_NODES, IN_CH), dtype=jnp.float32)
    edge_index = jax.random.randint(ks[1], (2, N_EDGES), 0, N_NODES, dtype=jnp.int32)
    edge_weight = jax.random.uniform(ks[2], (N_EDGES,), dtype=jnp.float32)
    ids = jax.random.randint(ks[3], (N_IDS,), 0, N_NODES, dtype=jnp.int32)
    # GATConv(7, 16, heads=4) params
    W = jax.random.normal(ks[4], (IN_CH, HEADS * HID), dtype=jnp.float32) * 0.3
    att_src = jax.random.normal(ks[5], (HEADS, HID), dtype=jnp.float32) * 0.3
    att_dst = jax.random.normal(ks[6], (HEADS, HID), dtype=jnp.float32) * 0.3
    bias = jnp.zeros((HEADS * HID,), dtype=jnp.float32)
    # LayerNorm(hidden*4)
    ln_gamma = jnp.ones((HEADS * HID,), dtype=jnp.float32)
    ln_beta = jnp.zeros((HEADS * HID,), dtype=jnp.float32)
    # Linear(hidden*4, 7)
    lin_W = jax.random.normal(ks[7], (HEADS * HID, 7), dtype=jnp.float32) * 0.1
    lin_b = jnp.zeros((7,), dtype=jnp.float32)
    return {"x": x, "edge_index": edge_index, "edge_weight": edge_weight, "ids": ids,
            "W": W, "att_src": att_src, "att_dst": att_dst, "bias": bias,
            "ln_gamma": ln_gamma, "ln_beta": ln_beta, "lin_W": lin_W, "lin_b": lin_b}


def reference(x, edge_index, edge_weight, ids, W, att_src, att_dst, bias, ln_gamma, ln_beta, lin_W, lin_b):
    N = x.shape[0]
    H = HEADS
    C = W.shape[1] // H
    # GATConv adds self-loops by default; edge_weight is ignored because edge_dim
    # is None in GATConv (PyG semantics: third positional arg is edge_attr, unused).
    loops = jnp.arange(N, dtype=edge_index.dtype)
    src = jnp.concatenate([edge_index[0], loops])
    dst = jnp.concatenate([edge_index[1], loops])
    xw = (x @ W).reshape(N, H, C)
    a_src = jnp.sum(xw * att_src[None, :, :], axis=-1)  # [N, H]
    a_dst = jnp.sum(xw * att_dst[None, :, :], axis=-1)  # [N, H]
    alpha = a_src[src] + a_dst[dst]                     # [Etot, H]
    alpha = jax.nn.leaky_relu(alpha, negative_slope=0.2)
    amax = jax.ops.segment_max(alpha, dst, num_segments=N)
    amax = jax.lax.stop_gradient(amax)
    alpha = jnp.exp(alpha - amax[dst])
    asum = jax.ops.segment_sum(alpha, dst, num_segments=N)
    alpha = alpha / (asum[dst] + 1e-16)
    msg = xw[src] * alpha[:, :, None]                   # [Etot, H, C]
    out = jax.ops.segment_sum(msg, dst, num_segments=N).reshape(N, H * C)
    out = out + bias
    # LayerNorm
    mu = jnp.mean(out, axis=-1, keepdims=True)
    var = jnp.var(out, axis=-1, keepdims=True)
    out = (out - mu) / jnp.sqrt(var + 1e-5) * ln_gamma + ln_beta
    # Linear + Softmax(dim=1) + index select
    logits = out @ lin_W + lin_b
    probs = jax.nn.softmax(logits, axis=1)
    return probs[ids]

if __name__ == "__main__":
    import jax
    _d = setup_inputs()
    print(jax.jit(kernel)(*tuple(_d.values())))

</pallas_src>

<mosaic_0001>
#map = affine_map<(d0, d1) -> (0)>
#map1 = affine_map<(d0, d1) -> (0, 0)>
module attributes {stable_mosaic.version = 14 : i64} {
  func.func @_edge_kernel(%arg0: i32, %arg1: i32, %arg2: memref<802944xi32, #tpu.memory_space<hbm>>, %arg3: memref<802944xi32, #tpu.memory_space<hbm>>, %arg4: memref<50176x4xf32, #tpu.memory_space<hbm>>, %arg5: memref<50176x4xf32, #tpu.memory_space<hbm>>, %arg6: memref<100352x32xf32, #tpu.memory_space<hbm>>, %arg7: memref<100352x32xf32, #tpu.memory_space<hbm>>, %arg8: memref<100352x2xf32, #tpu.memory_space<hbm>>, %arg9: memref<8192xi32, #tpu.memory_space<hbm>>, %arg10: memref<16384x32xf32, #tpu.memory_space<hbm>>, %arg11: memref<16384x2xf32, #tpu.memory_space<hbm>>, %arg12: memref<50176x32xf32, #tpu.memory_space<vmem_shared>>, %arg13: memref<50176x2xf32, #tpu.memory_space<vmem_shared>>, %arg14: memref<128xi32, #tpu.memory_space<vmem>>, %arg15: memref<128xi32, #tpu.memory_space<vmem>>, %arg16: memref<128xi32, #tpu.memory_space<vmem>>, %arg17: memref<128xi32, #tpu.memory_space<vmem>>, %arg18: memref<128xi32, #tpu.memory_space<vmem>>, %arg19: memref<128xi32, #tpu.memory_space<vmem>>, %arg20: memref<128x4xf32, #tpu.memory_space<vmem>>, %arg21: memref<128x4xf32, #tpu.memory_space<vmem>>, %arg22: memref<128x4xf32, #tpu.memory_space<vmem>>, %arg23: memref<128x4xf32, #tpu.memory_space<vmem>>, %arg24: memref<128x32xf32, #tpu.memory_space<vmem>>, %arg25: memref<128x32xf32, #tpu.memory_space<vmem>>, %arg26: memref<128x2xf32, #tpu.memory_space<vmem>>, %arg27: memref<128x32xf32, #tpu.memory_space<vmem>>, %arg28: memref<!tpu.dma_semaphore, #tpu.memory_space<semaphore_mem>>, %arg29: memref<!tpu.dma_semaphore, #tpu.memory_space<semaphore_mem>>, %arg30: memref<!tpu.dma_semaphore, #tpu.memory_space<semaphore_mem>>, %arg31: memref<128xi32, #tpu.memory_space<vmem>>, %arg32: memref<128x32xf32, #tpu.memory_space<vmem>>, %arg33: memref<128x2xf32, #tpu.memory_space<vmem>>, %arg34: memref<!tpu.dma_semaphore, #tpu.memory_space<semaphore_mem>>) attributes {dimension_semantics = [#tpu.dimension_semantics<core_parallel>, #tpu.dimension_semantics<subcore_parallel>], iteration_bounds = array<i64: 2, 16>, scalar_prefetch = 0 : i64, scratch_operands = 23 : i64, tpu.core_type = #tpu.core_type<sc_vector_subcore>, window_params = [{transform_indices = #map}, {transform_indices = #map}, {transform_indices = #map1}, {transform_indices = #map1}, {transform_indices = #map1}, {transform_indices = #map1}, {transform_indices = #map1}, {transform_indices = #map}, {transform_indices = #map1}, {transform_indices = #map1}]} {
    %mul3A = arith.constant 3136 : i32
    %mul3A_0 = arith.muli %arg1, %mul3A : i32
    %mul3A_1 = arith.constant 50176 : i32
    %mul3A_2 = arith.muli %arg0, %mul3A_1 : i32
    %add3A = arith.addi %mul3A_2, %mul3A_0 : i32
    "tpu.region"() ({
      %run_scoped3A = tpu.sem_alloc : memref<!tpu.dma_semaphore, #tpu.memory_space<semaphore_mem>>
      %dma_start3A_145 = arith.constant 0 : i32
      %dma_start3A_146 = tpu.memref_slice %arg12[%mul3A_0, %dma_start3A_145] : memref<50176x32xf32, #tpu.memory_space<vmem_shared>> -> memref<3136x32xf32, #tpu.memory_space<vmem_shared>>
      %dma_start3A_147 = arith.constant 0 : i32
      %dma_start3A_148 = tpu.memref_slice %arg7[%add3A, %dma_start3A_147] : memref<100352x32xf32, #tpu.memory_space<hbm>> -> memref<3136x32xf32, #tpu.memory_space<hbm>>
      tpu.enqueue_dma source(%dma_start3A_148 : memref<3136x32xf32, #tpu.memory_space<hbm>>) target(%dma_start3A_146 : memref<3136x32xf32, #tpu.memory_space<vmem_shared>>) target_semaphore(%run_scoped3A : memref<!tpu.dma_semaphore, #tpu.memory_space<semaphore_mem>>)
      %dma_wait3A_149 = arith.constant 0 : i32
      %dma_wait3A_150 = tpu.memref_slice %arg12[%mul3A_0, %dma_wait3A_149] : memref<50176x32xf32, #tpu.memory_space<vmem_shared>> -> memref<3136x32xf32, #tpu.memory_space<vmem_shared>>
      %dma_wait3A_151 = arith.constant 0 : i32
      %dma_wait3A_152 = tpu.memref_slice %arg7[%add3A, %dma_wait3A_151] : memref<100352x32xf32, #tpu.memory_space<hbm>> -> memref<3136x32xf32, #tpu.memory_space<hbm>>
      tpu.wait_dma2 semaphore(%run_scoped3A : memref<!tpu.dma_semaphore, #tpu.memory_space<semaphore_mem>>) src(%dma_wait3A_152 : memref<3136x32xf32, #tpu.memory_space<hbm>>) dst(%dma_wait3A_150 : memref<3136x32xf32, #tpu.memory_space<vmem_shared>>)
      tpu.yield
    }) : () -> ()
    %mul3A_3 = arith.constant 50176 : i32
    %mul3A_4 = arith.muli %arg0, %mul3A_3 : i32
    %add3A_5 = arith.addi %mul3A_4, %mul3A_0 : i32
    "tpu.region"() ({
      %run_scoped3A = tpu.sem_alloc : memref<!tpu.dma_semaphore, #tpu.memory_space<semaphore_mem>>
      %dma_start3A_145 = arith.constant 0 : i32
      %dma_start3A_146 = tpu.memref_slice %arg13[%mul3A_0, %dma_start3A_145] : memref<50176x2xf32, #tpu.memory_space<vmem_shared>> -> memref<3136x2xf32, #tpu.memory_space<vmem_shared>>
      %dma_start3A_147 = arith.constant 0 : i32
      %dma_start3A_148 = tpu.memref_slice %arg8[%add3A_5, %dma_start3A_147] : memref<100352x2xf32, #tpu.memory_space<hbm>> -> memref<3136x2xf32, #tpu.memory_space<hbm>>
      tpu.enqueue_dma source(%dma_start3A_148 : memref<3136x2xf32, #tpu.memory_space<hbm>>) target(%dma_start3A_146 : memref<3136x2xf32, #tpu.memory_space<vmem_shared>>) target_semaphore(%run_scoped3A : memref<!tpu.dma_semaphore, #tpu.memory_space<semaphore_mem>>)
      %dma_wait3A_149 = arith.constant 0 : i32
      %dma_wait3A_150 = tpu.memref_slice %arg13[%mul3A_0, %dma_wait3A_149] : memref<50176x2xf32, #tpu.memory_space<vmem_shared>> -> memref<3136x2xf32, #tpu.memory_space<vmem_shared>>
      %dma_wait3A_151 = arith.constant 0 : i32
      %dma_wait3A_152 = tpu.memref_slice %arg8[%add3A_5, %dma_wait3A_151] : memref<100352x2xf32, #tpu.memory_space<hbm>> -> memref<3136x2xf32, #tpu.memory_space<hbm>>
      tpu.wait_dma2 semaphore(%run_scoped3A : memref<!tpu.dma_semaphore, #tpu.memory_space<semaphore_mem>>) src(%dma_wait3A_152 : memref<3136x2xf32, #tpu.memory_space<hbm>>) dst(%dma_wait3A_150 : memref<3136x2xf32, #tpu.memory_space<vmem_shared>>)
      tpu.yield
    }) : () -> ()
    %barrier3A = arith.constant 0 : index
    tpu.barrier barrier_id(%barrier3A)
    %mul3A_6 = arith.constant 2 : i32
    %mul3A_7 = arith.muli %mul3A_6, %arg0 : i32
    %iota3A = tpu.iota {dimensions = array<i32: 0>} : vector<16xi32>
    %jit3A = arith.constant 4 : i32
    %div3A = vector.broadcast %jit3A : i32 to vector<16xi32>
    %div3A_8 = arith.divsi %iota3A, %div3A : vector<16xi32>
    %sign3A = arith.constant 0 : i32
    %sign3A_9 = vector.broadcast %sign3A : i32 to vector<16xi32>
    %sign3A_10 = arith.cmpi sgt, %iota3A, %sign3A_9 : vector<16xi32>
    %sign3A_11 = arith.extui %sign3A_10 : vector<16xi1> to vector<16xi32>
    %sign3A_12 = arith.constant 0 : i32
    %sign3A_13 = vector.broadcast %sign3A_12 : i32 to vector<16xi32>
    %sign3A_14 = arith.cmpi slt, %iota3A, %sign3A_13 : vector<16xi32>
    %sign3A_15 = arith.extui %sign3A_14 : vector<16xi1> to vector<16xi32>
    %sign3A_16 = arith.subi %sign3A_11, %sign3A_15 : vector<16xi32>
    %sign3A_17 = arith.constant 0 : i32
    %sign3A_18 = arith.cmpi sgt, %jit3A, %sign3A_17 : i32
    %sign3A_19 = arith.extui %sign3A_18 : i1 to i32
    %sign3A_20 = arith.constant 0 : i32
    %sign3A_21 = arith.cmpi slt, %jit3A, %sign3A_20 : i32
    %sign3A_22 = arith.extui %sign3A_21 : i1 to i32
    %sign3A_23 = arith.subi %sign3A_19, %sign3A_22 : i32
    %ne3A = vector.broadcast %sign3A_23 : i32 to vector<16xi32>
    %ne3A_24 = arith.cmpi ne, %sign3A_16, %ne3A : vector<16xi32>
    %rem3A = vector.broadcast %jit3A : i32 to vector<16xi32>
    %rem3A_25 = arith.remsi %iota3A, %rem3A : vector<16xi32>
    %ne3A_26 = arith.constant 0 : i32
    %ne3A_27 = vector.broadcast %ne3A_26 : i32 to vector<16xi32>
    %ne3A_28 = arith.cmpi ne, %rem3A_25, %ne3A_27 : vector<16xi32>
    %and3A = arith.andi %ne3A_24, %ne3A_28 : vector<16xi1>
    %sub3A = arith.constant 1 : i32
    %sub3A_29 = vector.broadcast %sub3A : i32 to vector<16xi32>
    %sub3A_30 = arith.subi %div3A_8, %sub3A_29 : vector<16xi32>
    %select_n3A = arith.select %and3A, %sub3A_30, %div3A_8 : vector<16xi1>, vector<16xi32>
    %jit3A_31 = arith.constant 4 : i32
    %eq3A = arith.constant 0 : i32
    %eq3A_32 = arith.cmpi eq, %jit3A_31, %eq3A : i32
    %jit3A_33 = arith.constant 1 : i32
    %select_n3A_34 = arith.select %eq3A_32, %jit3A_33, %jit3A_31 : i32
    %rem3A_35 = vector.broadcast %select_n3A_34 : i32 to vector<16xi32>
    %rem3A_36 = arith.remsi %iota3A, %rem3A_35 : vector<16xi32>
    %ne3A_37 = arith.constant 0 : i32
    %ne3A_38 = vector.broadcast %ne3A_37 : i32 to vector<16xi32>
    %ne3A_39 = arith.cmpi ne, %rem3A_36, %ne3A_38 : vector<16xi32>
    %lt3A = arith.constant 0 : i32
    %lt3A_40 = vector.broadcast %lt3A : i32 to vector<16xi32>
    %lt3A_41 = arith.cmpi slt, %rem3A_36, %lt3A_40 : vector<16xi32>
    %lt3A_42 = arith.constant 0 : i32
    %lt3A_43 = arith.cmpi slt, %select_n3A_34, %lt3A_42 : i32
    %ne3A_44 = vector.broadcast %lt3A_43 : i1 to vector<16xi1>
    %ne3A_45 = vector.broadcast %ne3A_44 : vector<16xi1> to vector<16xi1>
    %ne3A_46 = arith.xori %lt3A_41, %ne3A_45 : vector<16xi1>
    %and3A_47 = arith.andi %ne3A_46, %ne3A_39 : vector<16xi1>
    %add3A_48 = vector.broadcast %select_n3A_34 : i32 to vector<16xi32>
    %add3A_49 = arith.addi %rem3A_36, %add3A_48 : vector<16xi32>
    %select_n3A_50 = arith.select %and3A_47, %add3A_49, %rem3A_36 : vector<16xi1>, vector<16xi32>
    %mul3A_51 = arith.constant 50176 : i32
    %mul3A_52 = arith.muli %arg1, %mul3A_51 : i32
    %add3A_53 = arith.constant 0 : i32
    %add3A_54 = arith.addi %mul3A_52, %add3A_53 : i32
    "tpu.region"() ({
      %run_scoped3A = tpu.sem_alloc : memref<!tpu.dma_semaphore, #tpu.memory_space<semaphore_mem>>
      %dma_start3A_145 = tpu.memref_slice %arg2[%add3A_54] : memref<802944xi32, #tpu.memory_space<hbm>> -> memref<128xi32, #tpu.memory_space<hbm>>
      %dma_start3A_146 = tpu.memref_slice %arg2[%add3A_54] : memref<802944xi32, #tpu.memory_space<hbm>> -> memref<128xi32, #tpu.memory_space<hbm>>
      tpu.enqueue_dma source(%dma_start3A_146 : memref<128xi32, #tpu.memory_space<hbm>>) target(%arg14 : memref<128xi32, #tpu.memory_space<vmem>>) target_semaphore(%run_scoped3A : memref<!tpu.dma_semaphore, #tpu.memory_space<semaphore_mem>>)
      %dma_wait3A_147 = tpu.memref_slice %arg2[%add3A_54] : memref<802944xi32, #tpu.memory_space<hbm>> -> memref<128xi32, #tpu.memory_space<hbm>>
      %dma_wait3A_148 = tpu.memref_slice %arg2[%add3A_54] : memref<802944xi32, #tpu.memory_space<hbm>> -> memref<128xi32, #tpu.memory_space<hbm>>
      tpu.wait_dma2 semaphore(%run_scoped3A : memref<!tpu.dma_semaphore, #tpu.memory_space<semaphore_mem>>) src(%dma_wait3A_148 : memref<128xi32, #tpu.memory_space<hbm>>) dst(%arg14 : memref<128xi32, #tpu.memory_space<vmem>>)
      tpu.yield
    }) : () -> ()
    "tpu.region"() ({
      %run_scoped3A = tpu.sem_alloc : memref<!tpu.dma_semaphore, #tpu.memory_space<semaphore_mem>>
      %dma_start3A_145 = tpu.memref_slice %arg3[%add3A_54] : memref<802944xi32, #tpu.memory_space<hbm>> -> memref<128xi32, #tpu.memory_space<hbm>>
      %dma_start3A_146 = tpu.memref_slice %arg3[%add3A_54] : memref<802944xi32, #tpu.memory_space<hbm>> -> memref<128xi32, #tpu.memory_space<hbm>>
      tpu.enqueue_dma source(%dma_start3A_146 : memref<128xi32, #tpu.memory_space<hbm>>) target(%arg16 : memref<128xi32, #tpu.memory_space<vmem>>) target_semaphore(%run_scoped3A : memref<!tpu.dma_semaphore, #tpu.memory_space<semaphore_mem>>)
      %dma_wait3A_147 = tpu.memref_slice %arg3[%add3A_54] : memref<802944xi32, #tpu.memory_space<hbm>> -> memref<128xi32, #tpu.memory_space<hbm>>
      %dma_wait3A_148 = tpu.memref_slice %arg3[%add3A_54] : memref<802944xi32, #tpu.memory_space<hbm>> -> memref<128xi32, #tpu.memory_space<hbm>>
      tpu.wait_dma2 semaphore(%run_scoped3A : memref<!tpu.dma_semaphore, #tpu.memory_space<semaphore_mem>>) src(%dma_wait3A_148 : memref<128xi32, #tpu.memory_space<hbm>>) dst(%arg16 : memref<128xi32, #tpu.memory_space<vmem>>)
      tpu.yield
    }) : () -> ()
    %get3A = arith.constant 0 : index
    %get3A_55 = tpu.vector_load %arg14[%get3A] {strides = array<i32>} : memref<128xi32, #tpu.memory_space<vmem>>, vector<16xi32>,
    %mul3A_56 = arith.constant 50176 : i32
    %mul3A_57 = arith.muli %arg0, %mul3A_56 : i32
    %add3A_58 = vector.broadcast %mul3A_57 : i32 to vector<16xi32>
    %add3A_59 = arith.addi %get3A_55, %add3A_58 : vector<16xi32>
    %swap3A = arith.constant 0 : index
    %swap3A_60 = tpu.vector_load %arg18[%swap3A] {strides = array<i32>} : memref<128xi32, #tpu.memory_space<vmem>>, vector<16xi32>,
    tpu.vector_store %arg18[%swap3A], %add3A_59 {strides = array<i32>} : memref<128xi32, #tpu.memory_space<vmem>>, vector<16xi32>,
    %get3A_61 = arith.constant 16 : index
    %get3A_62 = tpu.vector_load %arg14[%get3A_61] {strides = array<i32>} : memref<128xi32, #tpu.memory_space<vmem>>, vector<16xi32>,
    %mul3A_63 = arith.constant 50176 : i32
    %mul3A_64 = arith.muli %arg0, %mul3A_63 : i32
    %add3A_65 = vector.broadcast %mul3A_64 : i32 to vector<16xi32>
    %add3A_66 = arith.addi %get3A_62, %add3A_65 : vector<16xi32>
    %swap3A_67 = arith.constant 16 : index
    %swap3A_68 = tpu.vector_load %arg18[%swap3A_67] {strides = array<i32>} : memref<128xi32, #tpu.memory_space<vmem>>, vector<16xi32>,
    tpu.vector_store %arg18[%swap3A_67], %add3A_66 {strides = array<i32>} : memref<128xi32, #tpu.memory_space<vmem>>, vector<16xi32>,
    %get3A_69 = arith.constant 32 : index
    %get3A_70 = tpu.vector_load %arg14[%get3A_69] {strides = array<i32>} : memref<128xi32, #tpu.memory_space<vmem>>, vector<16xi32>,
    %mul3A_71 = arith.constant 50176 : i32
    %mul3A_72 = arith.muli %arg0, %mul3A_71 : i32
    %add3A_73 = vector.broadcast %mul3A_72 : i32 to vector<16xi32>
    %add3A_74 = arith.addi %get3A_70, %add3A_73 : vector<16xi32>
    %swap3A_75 = arith.constant 32 : index
    %swap3A_76 = tpu.vector_load %arg18[%swap3A_75] {strides = array<i32>} : memref<128xi32, #tpu.memory_space<vmem>>, vector<16xi32>,
    tpu.vector_store %arg18[%swap3A_75], %add3A_74 {strides = array<i32>} : memref<128xi32, #tpu.memory_space<vmem>>, vector<16xi32>,
    %get3A_77 = arith.constant 48 : index
    %get3A_78 = tpu.vector_load %arg14[%get3A_77] {strides = array<i32>} : memref<128xi32, #tpu.memory_space<vmem>>, vector<16xi32>,
    %mul3A_79 = arith.constant 50176 : i32
    %mul3A_80 = arith.muli %arg0, %mul3A_79 : i32
    %add3A_81 = vector.broadcast %mul3A_80 : i32 to vector<16xi32>
    %add3A_82 = arith.addi %get3A_78, %add3A_81 : vector<16xi32>
    %swap3A_83 = arith.constant 48 : index
    %swap3A_84 = tpu.vector_load %arg18[%swap3A_83] {strides = array<i32>} : memref<128xi32, #tpu.memory_space<vmem>>, vector<16xi32>,
    tpu.vector_store %arg18[%swap3A_83], %add3A_82 {strides = array<i32>} : memref<128xi32, #tpu.memory_space<vmem>>, vector<16xi32>,
    %get3A_85 = arith.constant 64 : index
    %get3A_86 = tpu.vector_load %arg14[%get3A_85] {strides = array<i32>} : memref<128xi32, #tpu.memory_space<vmem>>, vector<16xi32>,
    %mul3A_87 = arith.constant 50176 : i32
    %mul3A_88 = arith.muli %arg0, %mul3A_87 : i32
    %add3A_89 = vector.broadcast %mul3A_88 : i32 to vector<16xi32>
    %add3A_90 = arith.addi %get3A_86, %add3A_89 : vector<16xi32>
    %swap3A_91 = arith.constant 64 : index
    %swap3A_92 = tpu.vector_load %arg18[%swap3A_91] {strides = array<i32>} : memref<128xi32, #tpu.memory_space<vmem>>, vector<16xi32>,
    tpu.vector_store %arg18[%swap3A_91], %add3A_90 {strides = array<i32>} : memref<128xi32, #tpu.memory_space<vmem>>, vector<16xi32>,
    %get3A_93 = arith.constant 80 : index
    %get3A_94 = tpu.vector_load %arg14[%get3A_93] {strides = array<i32>} : memref<128xi32, #tpu.memory_space<vmem>>, vector<16xi32>,
    %mul3A_95 = arith.constant 50176 : i32
    %mul3A_96 = arith.muli %arg0, %mul3A_95 : i32
    %add3A_97 = vector.broadcast %mul3A_96 : i32 to vector<16xi32>
    %add3A_98 = arith.addi %get3A_94, %add3A_97 : vector<16xi32>
    %swap3A_99 = arith.constant 80 : index
    %swap3A_100 = tpu.vector_load %arg18[%swap3A_99] {strides = array<i32>} : memref<128xi32, #tpu.memory_space<vmem>>, vector<16xi32>,
    tpu.vector_store %arg18[%swap3A_99], %add3A_98 {strides = array<i32>} : memref<128xi32, #tpu.memory_space<vmem>>, vector<16xi32>,
    %get3A_101 = arith.constant 96 : index
    %get3A_102 = tpu.vector_load %arg14[%get3A_101] {strides = array<i32>} : memref<128xi32, #tpu.memory_space<vmem>>, vector<16xi32>,
    %mul3A_103 = arith.constant 50176 : i32
    %mul3A_104 = arith.muli %arg0, %mul3A_103 : i32
    %add3A_105 = vector.broadcast %mul3A_104 : i32 to vector<16xi32>
    %add3A_106 = arith.addi %get3A_102, %add3A_105 : vector<16xi32>
    %swap3A_107 = arith.constant 96 : index
    %swap3A_108 = tpu.vector_load %arg18[%swap3A_107] {strides = array<i32>} : memref<128xi32, #tpu.memory_space<vmem>>, vector<16xi32>,
    tpu.vector_store %arg18[%swap3A_107], %add3A_106 {strides = array<i32>} : memref<128xi32, #tpu.memory_space<vmem>>, vector<16xi32>,
    %get3A_109 = arith.constant 112 : index
    %get3A_110 = tpu.vector_load %arg14[%get3A_109] {strides = array<i32>} : memref<128xi32, #tpu.memory_space<vmem>>, vector<16xi32>,
    %mul3A_111 = arith.constant 50176 : i32
    %mul3A_112 = arith.muli %arg0, %mul3A_111 : i32
    %add3A_113 = vector.broadcast %mul3A_112 : i32 to vector<16xi32>
    %add3A_114 = arith.addi %get3A_110, %add3A_113 : vector<16xi32>
    %swap3A_115 = arith.constant 112 : index
    %swap3A_116 = tpu.vector_load %arg18[%swap3A_115] {strides = array<i32>} : memref<128xi32, #tpu.memory_space<vmem>>, vector<16xi32>,
    tpu.vector_store %arg18[%swap3A_115], %add3A_114 {strides = array<i32>} : memref<128xi32, #tpu.memory_space<vmem>>, vector<16xi32>,
    %dma_start3A = arith.constant 0 : i32
    %dma_start3A_117 = arith.constant 0 : i32
    %dma_start3A_118 = tpu.memref_slice %arg4[%dma_start3A, %dma_start3A_117] : memref<50176x4xf32, #tpu.memory_space<hbm>> -> memref<50176x4xf32, #tpu.memory_space<hbm>>
    tpu.enqueue_indirect_dma source(%dma_start3A_118 : memref<50176x4xf32, #tpu.memory_space<hbm>>) target(%arg20 : memref<128x4xf32, #tpu.memory_space<vmem>>) offsets(%arg14 : memref<128xi32, #tpu.memory_space<vmem>>) semaphore(%arg28 : memref<!tpu.dma_semaphore, #tpu.memory_space<semaphore_mem>>)
    %dma_start3A_119 = arith.constant 0 : i32
    %dma_start3A_120 = arith.constant 0 : i32
    %dma_start3A_121 = tpu.memref_slice %arg5[%dma_start3A_119, %dma_start3A_120] : memref<50176x4xf32, #tpu.memory_space<hbm>> -> memref<50176x4xf32, #tpu.memory_space<hbm>>
    tpu.enqueue_indirect_dma source(%dma_start3A_121 : memref<50176x4xf32, #tpu.memory_space<hbm>>) target(%arg22 : memref<128x4xf32, #tpu.memory_space<vmem>>) offsets(%arg16 : memref<128xi32, #tpu.memory_space<vmem>>) semaphore(%arg28 : memref<!tpu.dma_semaphore, #tpu.memory_space<semaphore_mem>>)
    %dma_start3A_122 = arith.constant 0 : i32
    %dma_start3A_123 = arith.constant 0 : i32
    %dma_start3A_124 = tpu.memref_slice %arg6[%dma_start3A_122, %dma_start3A_123] : memref<100352x32xf32, #tpu.memory_space<hbm>> -> memref<100352x32xf32, #tpu.memory_space<hbm>>
    tpu.enqueue_indirect_dma source(%dma_start3A_124 : memref<100352x32xf32, #tpu.memory_space<hbm>>) target(%arg24 : memref<128x32xf32, #tpu.memory_space<vmem>>) offsets(%arg18 : memref<128xi32, #tpu.memory_space<vmem>>) semaphore(%arg28 : memref<!tpu.dma_semaphore, #tpu.memory_space<semaphore_mem>>)
    %scan3A = arith.constant 0 : i32
    %scan3A_125 = arith.constant 0 : i32
    %scan3A_126 = arith.constant 196 : i32
    %scan3A_127 = arith.addi %scan3A_125, %scan3A_126 : i32
    %scan3A_128 = arith.constant 1 : i32
    scf.for %scan3A_145 = %scan3A_125 to %scan3A_127 step %scan3A_128  : i32 {
      %mul3A_146 = arith.constant 2 : i32
      %mul3A_147 = arith.muli %mul3A_146, %scan3A_145 : i32
      %add3A_148 = arith.constant 1 : i32
      %add3A_149 = arith.addi %mul3A_147, %add3A_148 : i32
      %mul3A_150 = arith.constant 50176 : i32
      %mul3A_151 = arith.muli %arg1, %mul3A_150 : i32
      %mul3A_152 = arith.constant 128 : i32
      %mul3A_153 = arith.muli %add3A_149, %mul3A_152 : i32
      %add3A_154 = arith.addi %mul3A_151, %mul3A_153 : i32
      "tpu.region"() ({
        %run_scoped3A = tpu.sem_alloc : memref<!tpu.dma_semaphore, #tpu.memory_space<semaphore_mem>>
        %dma_start3A_362 = tpu.memref_slice %arg2[%add3A_154] : memref<802944xi32, #tpu.memory_space<hbm>> -> memref<128xi32, #tpu.memory_space<hbm>>
        %dma_start3A_363 = tpu.memref_slice %arg2[%add3A_154] : memref<802944xi32, #tpu.memory_space<hbm>> -> memref<128xi32, #tpu.memory_space<hbm>>
        tpu.enqueue_dma source(%dma_start3A_363 : memref<128xi32, #tpu.memory_space<hbm>>) target(%arg15 : memref<128xi32, #tpu.memory_space<vmem>>) target_semaphore(%run_scoped3A : memref<!tpu.dma_semaphore, #tpu.memory_space<semaphore_mem>>)
        %dma_wait3A_364 = tpu.memref_slice %arg2[%add3A_154] : memref<802944xi32, #tpu.memory_space<hbm>> -> memref<128xi32, #tpu.memory_space<hbm>>
        %dma_wait3A_365 = tpu.memref_slice %arg2[%add3A_154] : memref<802944xi32, #tpu.memory_space<hbm>> -> memref<128xi32, #tpu.memory_space<hbm>>
        tpu.wait_dma2 semaphore(%run_scoped3A : memref<!tpu.dma_semaphore, #tpu.memory_space<semaphore_mem>>) src(%dma_wait3A_365 : memref<128xi32, #tpu.memory_space<hbm>>) dst(%arg15 : memref<128xi32, #tpu.memory_space<vmem>>)
        tpu.yield
      }) : () -> ()
      "tpu.region"() ({
        %run_scoped3A = tpu.sem_alloc : memref<!tpu.dma_semaphore, #tpu.memory_space<semaphore_mem>>
        %dma_start3A_362 = tpu.memref_slice %arg3[%add3A_154] : memref<802944xi32, #tpu.memory_space<hbm>> -> memref<128xi32, #tpu.memory_space<hbm>>
        %dma_start3A_363 = tpu.memref_slice %arg3[%add3A_154] : memref<802944xi32, #tpu.memory_space<hbm>> -> memref<128xi32, #tpu.memory_space<hbm>>
        tpu.enqueue_dma source(%dma_start3A_363 : memref<128xi32, #tpu.memory_space<hbm>>) target(%arg17 : memref<128xi32, #tpu.memory_space<vmem>>) target_semaphore(%run_scoped3A : memref<!tpu.dma_semaphore, #tpu.memory_space<semaphore_mem>>)
        %dma_wait3A_364 = tpu.memref_slice %arg3[%add3A_154] : memref<802944xi32, #tpu.memory_space<hbm>> -> memref<128xi32, #tpu.memory_space<hbm>>
        %dma_wait3A_365 = tpu.memref_slice %arg3[%add3A_154] : memref<802944xi32, #tpu.memory_space<hbm>> -> memref<128xi32, #tpu.memory_space<hbm>>
        tpu.wait_dma2 semaphore(%run_scoped3A : memref<!tpu.dma_semaphore, #tpu.memory_space<semaphore_mem>>) src(%dma_wait3A_365 : memref<128xi32, #tpu.memory_space<hbm>>) dst(%arg17 : memref<128xi32, #tpu.memory_space<vmem>>)
        tpu.yield
      }) : () -> ()
      %get3A_155 = arith.constant 0 : index
      %get3A_156 = tpu.vector_load %arg15[%get3A_155] {strides = array<i32>} : memref<128xi32, #tpu.memory_space<vmem>>, vector<16xi32>,
      %mul3A_157 = arith.constant 50176 : i32
      %mul3A_158 = arith.muli %arg0, %mul3A_157 : i32
      %add3A_159 = vector.broadcast %mul3A_158 : i32 to vector<16xi32>
      %add3A_160 = arith.addi %get3A_156, %add3A_159 : vector<16xi32>
      %swap3A_161 = arith.constant 0 : index
      %swap3A_162 = tpu.vector_load %arg19[%swap3A_161] {strides = array<i32>} : memref<128xi32, #tpu.memory_space<vmem>>, vector<16xi32>,
      tpu.vector_store %arg19[%swap3A_161], %add3A_160 {strides = array<i32>} : memref<128xi32, #tpu.memory_space<vmem>>, vector<16xi32>,
      %get3A_163 = arith.constant 16 : index
      %get3A_164 = tpu.vector_load %arg15[%get3A_163] {strides = array<i32>} : memref<128xi32, #tpu.memory_space<vmem>>, vector<16xi32>,
      %mul3A_165 = arith.constant 50176 : i32
      %mul3A_166 = arith.muli %arg0, %mul3A_165 : i32
      %add3A_167 = vector.broadcast %mul3A_166 : i32 to vector<16xi32>
      %add3A_168 = arith.addi %get3A_164, %add3A_167 : vector<16xi32>
      %swap3A_169 = arith.constant 16 : index
      %swap3A_170 = tpu.vector_load %arg19[%swap3A_169] {strides = array<i32>} : memref<128xi32, #tpu.memory_space<vmem>>, vector<16xi32>,
      tpu.vector_store %arg19[%swap3A_169], %add3A_168 {strides = array<i32>} : memref<128xi32, #tpu.memory_space<vmem>>, vector<16xi32>,
      %get3A_171 = arith.constant 32 : index
      %get3A_172 = tpu.vector_load %arg15[%get3A_171] {strides = array<i32>} : memref<128xi32, #tpu.memory_space<vmem>>, vector<16xi32>,
      %mul3A_173 = arith.constant 50176 : i32
      %mul3A_174 = arith.muli %arg0, %mul3A_173 : i32
      %add3A_175 = vector.broadcast %mul3A_174 : i32 to vector<16xi32>
      %add3A_176 = arith.addi %get3A_172, %add3A_175 : vector<16xi32>
      %swap3A_177 = arith.constant 32 : index
      %swap3A_178 = tpu.vector_load %arg19[%swap3A_177] {strides = array<i32>} : memref<128xi32, #tpu.memory_space<vmem>>, vector<16xi32>,
      tpu.vector_store %arg19[%swap3A_177], %add3A_176 {strides = array<i32>} : memref<128xi32, #tpu.memory_space<vmem>>, vector<16xi32>,
      %get3A_179 = arith.constant 48 : index
      %get3A_180 = tpu.vector_load %arg15[%get3A_179] {strides = array<i32>} : memref<128xi32, #tpu.memory_space<vmem>>, vector<16xi32>,
      %mul3A_181 = arith.constant 50176 : i32
      %mul3A_182 = arith.muli %arg0, %mul3A_181 : i32
      %add3A_183 = vector.broadcast %mul3A_182 : i32 to vector<16xi32>
      %add3A_184 = arith.addi %get3A_180, %add3A_183 : vector<16xi32>
      %swap3A_185 = arith.constant 48 : index
      %swap3A_186 = tpu.vector_load %arg19[%swap3A_185] {strides = array<i32>} : memref<128xi32, #tpu.memory_space<vmem>>, vector<16xi32>,
      tpu.vector_store %arg19[%swap3A_185], %add3A_184 {strides = array<i32>} : memref<128xi32, #tpu.memory_space<vmem>>, vector<16xi32>,
      %get3A_187 = arith.constant 64 : index
      %get3A_188 = tpu.vector_load %arg15[%get3A_187] {strides = array<i32>} : memref<128xi32, #tpu.memory_space<vmem>>, vector<16xi32>,
      %mul3A_189 = arith.constant 50176 : i32
      %mul3A_190 = arith.muli %arg0, %mul3A_189 : i32
      %add3A_191 = vector.broadcast %mul3A_190 : i32 to vector<16xi32>
      %add3A_192 = arith.addi %get3A_188, %add3A_191 : vector<16xi32>
      %swap3A_193 = arith.constant 64 : index
      %swap3A_194 = tpu.vector_load %arg19[%swap3A_193] {strides = array<i32>} : memref<128xi32, #tpu.memory_space<vmem>>, vector<16xi32>,
      tpu.vector_store %arg19[%swap3A_193], %add3A_192 {strides = array<i32>} : memref<128xi32, #tpu.memory_space<vmem>>, vector<16xi32>,
      %get3A_195 = arith.constant 80 : index
      %get3A_196 = tpu.vector_load %arg15[%get3A_195] {strides = array<i32>} : memref<128xi32, #tpu.memory_space<vmem>>, vector<16xi32>,
      %mul3A_197 = arith.constant 50176 : i32
      %mul3A_198 = arith.muli %arg0, %mul3A_197 : i32
      %add3A_199 = vector.broadcast %mul3A_198 : i32 to vector<16xi32>
      %add3A_200 = arith.addi %get3A_196, %add3A_199 : vector<16xi32>
      %swap3A_201 = arith.constant 80 : index
      %swap3A_202 = tpu.vector_load %arg19[%swap3A_201] {strides = array<i32>} : memref<128xi32, #tpu.memory_space<vmem>>, vector<16xi32>,
      tpu.vector_store %arg19[%swap3A_201], %add3A_200 {strides = array<i32>} : memref<128xi32, #tpu.memory_space<vmem>>, vector<16xi32>,
      %get3A_203 = arith.constant 96 : index
      %get3A_204 = tpu.vector_load %arg15[%get3A_203] {strides = array<i32>} : memref<128xi32, #tpu.memory_space<vmem>>, vector<16xi32>,
      %mul3A_205 = arith.constant 50176 : i32
      %mul3A_206 = arith.muli %arg0, %mul3A_205 : i32
      %add3A_207 = vector.broadcast %mul3A_206 : i32 to vector<16xi32>
      %add3A_208 = arith.addi %get3A_204, %add3A_207 : vector<16xi32>
      %swap3A_209 = arith.constant 96 : index
      %swap3A_210 = tpu.vector_load %arg19[%swap3A_209] {strides = array<i32>} : memref<128xi32, #tpu.memory_space<vmem>>, vector<16xi32>,
      tpu.vector_store %arg19[%swap3A_209], %add3A_208 {strides = array<i32>} : memref<128xi32, #tpu.memory_space<vmem>>, vector<16xi32>,
      %get3A_211 = arith.constant 112 : index
      %get3A_212 = tpu.vector_load %arg15[%get3A_211] {strides = array<i32>} : memref<128xi32, #tpu.memory_space<vmem>>, vector<16xi32>,
      %mul3A_213 = arith.constant 50176 : i32
      %mul3A_214 = arith.muli %arg0, %mul3A_213 : i32
      %add3A_215 = vector.broadcast %mul3A_214 : i32 to vector<16xi32>
      %add3A_216 = arith.addi %get3A_212, %add3A_215 : vector<16xi32>
      %swap3A_217 = arith.constant 112 : index
      %swap3A_218 = tpu.vector_load %arg19[%swap3A_217] {strides = array<i32>} : memref<128xi32, #tpu.memory_space<vmem>>, vector<16xi32>,
      tpu.vector_store %arg19[%swap3A_217], %add3A_216 {strides = array<i32>} : memref<128xi32, #tpu.memory_space<vmem>>, vector<16xi32>,
      %dma_start3A_219 = arith.constant 0 : i32
      %dma_start3A_220 = arith.constant 0 : i32
      %dma_start3A_221 = tpu.memref_slice %arg4[%dma_start3A_219, %dma_start3A_220] : memref<50176x4xf32, #tpu.memory_space<hbm>> -> memref<50176x4xf32, #tpu.memory_space<hbm>>
      tpu.enqueue_indirect_dma source(%dma_start3A_221 : memref<50176x4xf32, #tpu.memory_space<hbm>>) target(%arg21 : memref<128x4xf32, #tpu.memory_space<vmem>>) offsets(%arg15 : memref<128xi32, #tpu.memory_space<vmem>>) semaphore(%arg29 : memref<!tpu.dma_semaphore, #tpu.memory_space<semaphore_mem>>)
      %dma_start3A_222 = arith.constant 0 : i32
      %dma_start3A_223 = arith.constant 0 : i32
      %dma_start3A_224 = tpu.memref_slice %arg5[%dma_start3A_222, %dma_start3A_223] : memref<50176x4xf32, #tpu.memory_space<hbm>> -> memref<50176x4xf32, #tpu.memory_space<hbm>>
      tpu.enqueue_indirect_dma source(%dma_start3A_224 : memref<50176x4xf32, #tpu.memory_space<hbm>>) target(%arg23 : memref<128x4xf32, #tpu.memory_space<vmem>>) offsets(%arg17 : memref<128xi32, #tpu.memory_space<vmem>>) semaphore(%arg29 : memref<!tpu.dma_semaphore, #tpu.memory_space<semaphore_mem>>)
      %dma_start3A_225 = arith.constant 0 : i32
      %dma_start3A_226 = arith.constant 0 : i32
      %dma_start3A_227 = tpu.memref_slice %arg6[%dma_start3A_225, %dma_start3A_226] : memref<100352x32xf32, #tpu.memory_space<hbm>> -> memref<100352x32xf32, #tpu.memory_space<hbm>>
      tpu.enqueue_indirect_dma source(%dma_start3A_227 : memref<100352x32xf32, #tpu.memory_space<hbm>>) target(%arg25 : memref<128x32xf32, #tpu.memory_space<vmem>>) offsets(%arg19 : memref<128xi32, #tpu.memory_space<vmem>>) semaphore(%arg29 : memref<!tpu.dma_semaphore, #tpu.memory_space<semaphore_mem>>)
      %dma_wait3A_228 = arith.constant 0 : i32
      %dma_wait3A_229 = arith.constant 0 : i32
      %dma_wait3A_230 = tpu.memref_slice %arg4[%dma_wait3A_228, %dma_wait3A_229] : memref<50176x4xf32, #tpu.memory_space<hbm>> -> memref<50176x4xf32, #tpu.memory_space<hbm>>
      tpu.wait_indirect_dma semaphore(%arg28 : memref<!tpu.dma_semaphore, #tpu.memory_space<semaphore_mem>>) src(%dma_wait3A_230 : memref<50176x4xf32, #tpu.memory_space<hbm>>) dst(%arg20 : memref<128x4xf32, #tpu.memory_space<vmem>>)
      %dma_wait3A_231 = arith.constant 0 : i32
      %dma_wait3A_232 = arith.constant 0 : i32
      %dma_wait3A_233 = tpu.memref_slice %arg5[%dma_wait3A_231, %dma_wait3A_232] : memref<50176x4xf32, #tpu.memory_space<hbm>> -> memref<50176x4xf32, #tpu.memory_space<hbm>>
      tpu.wait_indirect_dma semaphore(%arg28 : memref<!tpu.dma_semaphore, #tpu.memory_space<semaphore_mem>>) src(%dma_wait3A_233 : memref<50176x4xf32, #tpu.memory_space<hbm>>) dst(%arg22 : memref<128x4xf32, #tpu.memory_space<vmem>>)
      %dma_wait3A_234 = arith.constant 0 : i32
      %dma_wait3A_235 = arith.constant 0 : i32
      %dma_wait3A_236 = tpu.memref_slice %arg6[%dma_wait3A_234, %dma_wait3A_235] : memref<100352x32xf32, #tpu.memory_space<hbm>> -> memref<100352x32xf32, #tpu.memory_space<hbm>>
      tpu.wait_indirect_dma semaphore(%arg28 : memref<!tpu.dma_semaphore, #tpu.memory_space<semaphore_mem>>) src(%dma_wait3A_236 : memref<100352x32xf32, #tpu.memory_space<hbm>>) dst(%arg24 : memref<128x32xf32, #tpu.memory_space<vmem>>)
      %scan3A_237 = arith.constant 0 : i32
      %scan3A_238 = arith.constant 0 : i32
      %scan3A_239 = arith.constant 32 : i32
      %scan3A_240 = arith.addi %scan3A_238, %scan3A_239 : i32
      %scan3A_241 = arith.constant 2 : i32
      scf.for %scan3A_362 = %scan3A_238 to %scan3A_240 step %scan3A_241  : i32 {
        %mul3A_363 = arith.constant 4 : i32
        %mul3A_364 = arith.muli %mul3A_363, %scan3A_362 : i32
        %add3A_365 = vector.broadcast %mul3A_364 : i32 to vector<16xi32>
        %add3A_366 = arith.addi %add3A_365, %select_n3A : vector<16xi32>
        %gather3A = tpu.vector_load_idx %arg20[%add3A_366, %select_n3A_50] : memref<128x4xf32, #tpu.memory_space<vmem>>[vector<16xi32>, vector<16xi32>], vector<16xf32>,
        %gather3A_367 = tpu.vector_load_idx %arg22[%add3A_366, %select_n3A_50] : memref<128x4xf32, #tpu.memory_space<vmem>>[vector<16xi32>, vector<16xi32>], vector<16xf32>,
        %add3A_368 = arith.addf %gather3A, %gather3A_367 : vector<16xf32>
        %mul3A_369 = arith.constant 2.000000e-01 : f32
        %mul3A_370 = vector.broadcast %mul3A_369 : f32 to vector<16xf32>
        %mul3A_371 = arith.mulf %mul3A_370, %add3A_368 : vector<16xf32>
        %max3A = arith.maximumf %add3A_368, %mul3A_371 : vector<16xf32>
        %exp3A = math.exp %max3A : vector<16xf32>
        %sub3A_372 = vector.broadcast %mul3A_7 : i32 to vector<16xi32>
        %sub3A_373 = arith.subi %select_n3A_50, %sub3A_372 : vector<16xi32>
        %jit3A_374 = arith.constant 0 : i32
        %jit3A_375 = arith.constant 1 : i32
        %max3A_376 = vector.broadcast %jit3A_374 : i32 to vector<16xi32>
        %max3A_377 = arith.maxsi %max3A_376, %sub3A_373 : vector<16xi32>
        %min3A = vector.broadcast %jit3A_375 : i32 to vector<16xi32>
        %min3A_378 = arith.minsi %min3A, %max3A_377 : vector<16xi32>
        %sub3A_379 = vector.broadcast %mul3A_7 : i32 to vector<16xi32>
        %sub3A_380 = arith.subi %select_n3A_50, %sub3A_379 : vector<16xi32>
        %eq3A_381 = arith.cmpi eq, %sub3A_380, %min3A_378 : vector<16xi32>
        tpu.vector_store_idx %arg26[%add3A_366, %min3A_378], %exp3A masked %eq3A_381 : memref<128x2xf32, #tpu.memory_space<vmem>>[vector<16xi32>, vector<16xi32>], vector<16xf32>, vector<16xi1>
        %broadcast_in_dim3A = arith.constant 0 : i32
        %broadcast_in_dim3A_382 = vector.broadcast %broadcast_in_dim3A : i32 to vector<16xi32>
        %mul3A_383 = arith.constant 4 : i32
        %mul3A_384 = arith.muli %mul3A_383, %scan3A_362 : i32
        %add3A_385 = arith.constant 0 : i32
        %add3A_386 = arith.addi %mul3A_384, %add3A_385 : i32
        %broadcast_in_dim3A_387 = vector.broadcast %add3A_386 : i32 to vector<16xi32>
        %gather3A_388 = tpu.vector_load_idx %arg26[%broadcast_in_dim3A_387, %broadcast_in_dim3A_382] : memref<128x2xf32, #tpu.memory_space<vmem>>[vector<16xi32>, vector<16xi32>], vector<16xf32>,
        %add3A_389 = arith.constant 1 : i32
        %add3A_390 = vector.broadcast %add3A_389 : i32 to vector<16xi32>
        %add3A_391 = arith.addi %broadcast_in_dim3A_382, %add3A_390 : vector<16xi32>
        %gather3A_392 = tpu.vector_load_idx %arg26[%broadcast_in_dim3A_387, %add3A_391] : memref<128x2xf32, #tpu.memory_space<vmem>>[vector<16xi32>, vector<16xi32>], vector<16xf32>,
        %gather3A_393 = tpu.vector_load_idx %arg24[%broadcast_in_dim3A_387, %iota3A] : memref<128x32xf32, #tpu.memory_space<vmem>>[vector<16xi32>, vector<16xi32>], vector<16xf32>,
        %add3A_394 = arith.constant 16 : i32
        %add3A_395 = vector.broadcast %add3A_394 : i32 to vector<16xi32>
        %add3A_396 = arith.addi %iota3A, %add3A_395 : vector<16xi32>
        %gather3A_397 = tpu.vector_load_idx %arg24[%broadcast_in_dim3A_387, %add3A_396] : memref<128x32xf32, #tpu.memory_space<vmem>>[vector<16xi32>, vector<16xi32>], vector<16xf32>,
        %mul3A_398 = arith.mulf %gather3A_393, %gather3A_388 : vector<16xf32>
        tpu.vector_store_idx %arg27[%broadcast_in_dim3A_387, %iota3A], %mul3A_398 : memref<128x32xf32, #tpu.memory_space<vmem>>[vector<16xi32>, vector<16xi32>], vector<16xf32>,
        %add3A_399 = arith.constant 16 : i32
        %add3A_400 = vector.broadcast %add3A_399 : i32 to vector<16xi32>
        %add3A_401 = arith.addi %iota3A, %add3A_400 : vector<16xi32>
        %mul3A_402 = arith.mulf %gather3A_397, %gather3A_392 : vector<16xf32>
        tpu.vector_store_idx %arg27[%broadcast_in_dim3A_387, %add3A_401], %mul3A_402 : memref<128x32xf32, #tpu.memory_space<vmem>>[vector<16xi32>, vector<16xi32>], vector<16xf32>,
        %mul3A_403 = arith.constant 4 : i32
        %mul3A_404 = arith.muli %mul3A_403, %scan3A_362 : i32
        %add3A_405 = arith.constant 1 : i32
        %add3A_406 = arith.addi %mul3A_404, %add3A_405 : i32
        %broadcast_in_dim3A_407 = vector.broadcast %add3A_406 : i32 to vector<16xi32>
        %gather3A_408 = tpu.vector_load_idx %arg26[%broadcast_in_dim3A_407, %broadcast_in_dim3A_382] : memref<128x2xf32, #tpu.memory_space<vmem>>[vector<16xi32>, vector<16xi32>], vector<16xf32>,
        %add3A_409 = arith.constant 1 : i32
        %add3A_410 = vector.broadcast %add3A_409 : i32 to vector<16xi32>
        %add3A_411 = arith.addi %broadcast_in_dim3A_382, %add3A_410 : vector<16xi32>
        %gather3A_412 = tpu.vector_load_idx %arg26[%broadcast_in_dim3A_407, %add3A_411] : memref<128x2xf32, #tpu.memory_space<vmem>>[vector<16xi32>, vector<16xi32>], vector<16xf32>,
        %gather3A_413 = tpu.vector_load_idx %arg24[%broadcast_in_dim3A_407, %iota3A] : memref<128x32xf32, #tpu.memory_space<vmem>>[vector<16xi32>, vector<16xi32>], vector<16xf32>,
        %add3A_414 = arith.constant 16 : i32
        %add3A_415 = vector.broadcast %add3A_414 : i32 to vector<16xi32>
        %add3A_416 = arith.addi %iota3A, %add3A_415 : vector<16xi32>
        %gather3A_417 = tpu.vector_load_idx %arg24[%broadcast_in_dim3A_407, %add3A_416] : memref<128x32xf32, #tpu.memory_space<vmem>>[vector<16xi32>, vector<16xi32>], vector<16xf32>,
        %mul3A_418 = arith.mulf %gather3A_413, %gather3A_408 : vector<16xf32>
        tpu.vector_store_idx %arg27[%broadcast_in_dim3A_407, %iota3A], %mul3A_418 : memref<128x32xf32, #tpu.memory_space<vmem>>[vector<16xi32>, vector<16xi32>], vector<16xf32>,
        %add3A_419 = arith.constant 16 : i32
        %add3A_420 = vector.broadcast %add3A_419 : i32 to vector<16xi32>
        %add3A_421 = arith.addi %iota3A, %add3A_420 : vector<16xi32>
        %mul3A_422 = arith.mulf %gather3A_417, %gather3A_412 : vector<16xf32>
        tpu.vector_store_idx %arg27[%broadcast_in_dim3A_407, %add3A_421], %mul3A_422 : memref<128x32xf32, #tpu.memory_space<vmem>>[vector<16xi32>, vector<16xi32>], vector<16xf32>,
        %mul3A_423 = arith.constant 4 : i32
        %mul3A_424 = arith.muli %mul3A_423, %scan3A_362 : i32
        %add3A_425 = arith.constant 2 : i32
        %add3A_426 = arith.addi %mul3A_424, %add3A_425 : i32
        %broadcast_in_dim3A_427 = vector.broadcast %add3A_426 : i32 to vector<16xi32>
        %gather3A_428 = tpu.vector_load_idx %arg26[%broadcast_in_dim3A_427, %broadcast_in_dim3A_382] : memref<128x2xf32, #tpu.memory_space<vmem>>[vector<16xi32>, vector<16xi32>], vector<16xf32>,
        %add3A_429 = arith.constant 1 : i32
        %add3A_430 = vector.broadcast %add3A_429 : i32 to vector<16xi32>
        %add3A_431 = arith.addi %broadcast_in_dim3A_382, %add3A_430 : vector<16xi32>
        %gather3A_432 = tpu.vector_load_idx %arg26[%broadcast_in_dim3A_427, %add3A_431] : memref<128x2xf32, #tpu.memory_space<vmem>>[vector<16xi32>, vector<16xi32>], vector<16xf32>,
        %gather3A_433 = tpu.vector_load_idx %arg24[%broadcast_in_dim3A_427, %iota3A] : memref<128x32xf32, #tpu.memory_space<vmem>>[vector<16xi32>, vector<16xi32>], vector<16xf32>,
        %add3A_434 = arith.constant 16 : i32
        %add3A_435 = vector.broadcast %add3A_434 : i32 to vector<16xi32>
        %add3A_436 = arith.addi %iota3A, %add3A_435 : vector<16xi32>
        %gather3A_437 = tpu.vector_load_idx %arg24[%broadcast_in_dim3A_427, %add3A_436] : memref<128x32xf32, #tpu.memory_space<vmem>>[vector<16xi32>, vector<16xi32>], vector<16xf32>,
        %mul3A_438 = arith.mulf %gather3A_433, %gather3A_428 : vector<16xf32>
        tpu.vector_store_idx %arg27[%broadcast_in_dim3A_427, %iota3A], %mul3A_438 : memref<128x32xf32, #tpu.memory_space<vmem>>[vector<16xi32>, vector<16xi32>], vector<16xf32>,
        %add3A_439 = arith.constant 16 : i32
        %add3A_440 = vector.broadcast %add3A_439 : i32 to vector<16xi32>
        %add3A_441 = arith.addi %iota3A, %add3A_440 : vector<16xi32>
        %mul3A_442 = arith.mulf %gather3A_437, %gather3A_432 : vector<16xf32>
        tpu.vector_store_idx %arg27[%broadcast_in_dim3A_427, %add3A_441], %mul3A_442 : memref<128x32xf32, #tpu.memory_space<vmem>>[vector<16xi32>, vector<16xi32>], vector<16xf32>,
        %mul3A_443 = arith.constant 4 : i32
        %mul3A_444 = arith.muli %mul3A_443, %scan3A_362 : i32
        %add3A_445 = arith.constant 3 : i32
        %add3A_446 = arith.addi %mul3A_444, %add3A_445 : i32
        %broadcast_in_dim3A_447 = vector.broadcast %add3A_446 : i32 to vector<16xi32>
        %gather3A_448 = tpu.vector_load_idx %arg26[%broadcast_in_dim3A_447, %broadcast_in_dim3A_382] : memref<128x2xf32, #tpu.memory_space<vmem>>[vector<16xi32>, vector<16xi32>], vector<16xf32>,
        %add3A_449 = arith.constant 1 : i32
        %add3A_450 = vector.broadcast %add3A_449 : i32 to vector<16xi32>
        %add3A_451 = arith.addi %broadcast_in_dim3A_382, %add3A_450 : vector<16xi32>
        %gather3A_452 = tpu.vector_load_idx %arg26[%broadcast_in_dim3A_447, %add3A_451] : memref<128x2xf32, #tpu.memory_space<vmem>>[vector<16xi32>, vector<16xi32>], vector<16xf32>,
        %gather3A_453 = tpu.vector_load_idx %arg24[%broadcast_in_dim3A_447, %iota3A] : memref<128x32xf32, #tpu.memory_space<vmem>>[vector<16xi32>, vector<16xi32>], vector<16xf32>,
        %add3A_454 = arith.constant 16 : i32
        %add3A_455 = vector.broadcast %add3A_454 : i32 to vector<16xi32>
        %add3A_456 = arith.addi %iota3A, %add3A_455 : vector<16xi32>
        %gather3A_457 = tpu.vector_load_idx %arg24[%broadcast_in_dim3A_447, %add3A_456] : memref<128x32xf32, #tpu.memory_space<vmem>>[vector<16xi32>, vector<16xi32>], vector<16xf32>,
        %mul3A_458 = arith.mulf %gather3A_453, %gather3A_448 : vector<16xf32>
        tpu.vector_store_idx %arg27[%broadcast_in_dim3A_447, %iota3A], %mul3A_458 : memref<128x32xf32, #tpu.memory_space<vmem>>[vector<16xi32>, vector<16xi32>], vector<16xf32>,
        %add3A_459 = arith.constant 16 : i32
        %add3A_460 = vector.broadcast %add3A_459 : i32 to vector<16xi32>
        %add3A_461 = arith.addi %iota3A, %add3A_460 : vector<16xi32>
        %mul3A_462 = arith.mulf %gather3A_457, %gather3A_452 : vector<16xf32>
        tpu.vector_store_idx %arg27[%broadcast_in_dim3A_447, %add3A_461], %mul3A_462 : memref<128x32xf32, #tpu.memory_space<vmem>>[vector<16xi32>, vector<16xi32>], vector<16xf32>,
        %scan3A_463 = arith.constant 1 : i32
        %scan3A_464 = arith.addi %scan3A_362, %scan3A_463 : i32
        %mul3A_465 = arith.constant 4 : i32
        %mul3A_466 = arith.muli %mul3A_465, %scan3A_464 : i32
        %add3A_467 = vector.broadcast %mul3A_466 : i32 to vector<16xi32>
        %add3A_468 = arith.addi %add3A_467, %select_n3A : vector<16xi32>
        %gather3A_469 = tpu.vector_load_idx %arg20[%add3A_468, %select_n3A_50] : memref<128x4xf32, #tpu.memory_space<vmem>>[vector<16xi32>, vector<16xi32>], vector<16xf32>,
        %gather3A_470 = tpu.vector_load_idx %arg22[%add3A_468, %select_n3A_50] : memref<128x4xf32, #tpu.memory_space<vmem>>[vector<16xi32>, vector<16xi32>], vector<16xf32>,
        %add3A_471 = arith.addf %gather3A_469, %gather3A_470 : vector<16xf32>
        %mul3A_472 = arith.constant 2.000000e-01 : f32
        %mul3A_473 = vector.broadcast %mul3A_472 : f32 to vector<16xf32>
        %mul3A_474 = arith.mulf %mul3A_473, %add3A_471 : vector<16xf32>
        %max3A_475 = arith.maximumf %add3A_471, %mul3A_474 : vector<16xf32>
        %exp3A_476 = math.exp %max3A_475 : vector<16xf32>
        %sub3A_477 = vector.broadcast %mul3A_7 : i32 to vector<16xi32>
        %sub3A_478 = arith.subi %select_n3A_50, %sub3A_477 : vector<16xi32>
        %jit3A_479 = arith.constant 0 : i32
        %jit3A_480 = arith.constant 1 : i32
        %max3A_481 = vector.broadcast %jit3A_479 : i32 to vector<16xi32>
        %max3A_482 = arith.maxsi %max3A_481, %sub3A_478 : vector<16xi32>
        %min3A_483 = vector.broadcast %jit3A_480 : i32 to vector<16xi32>
        %min3A_484 = arith.minsi %min3A_483, %max3A_482 : vector<16xi32>
        %sub3A_485 = vector.broadcast %mul3A_7 : i32 to vector<16xi32>
        %sub3A_486 = arith.subi %select_n3A_50, %sub3A_485 : vector<16xi32>
        %eq3A_487 = arith.cmpi eq, %sub3A_486, %min3A_484 : vector<16xi32>
        tpu.vector_store_idx %arg26[%add3A_468, %min3A_484], %exp3A_476 masked %eq3A_487 : memref<128x2xf32, #tpu.memory_space<vmem>>[vector<16xi32>, vector<16xi32>], vector<16xf32>, vector<16xi1>
        %broadcast_in_dim3A_488 = arith.constant 0 : i32
        %broadcast_in_dim3A_489 = vector.broadcast %broadcast_in_dim3A_488 : i32 to vector<16xi32>
        %mul3A_490 = arith.constant 4 : i32
        %mul3A_491 = arith.muli %mul3A_490, %scan3A_464 : i32
        %add3A_492 = arith.constant 0 : i32
        %add3A_493 = arith.addi %mul3A_491, %add3A_492 : i32
        %broadcast_in_dim3A_494 = vector.broadcast %add3A_493 : i32 to vector<16xi32>
        %gather3A_495 = tpu.vector_load_idx %arg26[%broadcast_in_dim3A_494, %broadcast_in_dim3A_489] : memref<128x2xf32, #tpu.memory_space<vmem>>[vector<16xi32>, vector<16xi32>], vector<16xf32>,
        %add3A_496 = arith.constant 1 : i32
        %add3A_497 = vector.broadcast %add3A_496 : i32 to vector<16xi32>
        %add3A_498 = arith.addi %broadcast_in_dim3A_489, %add3A_497 : vector<16xi32>
        %gather3A_499 = tpu.vector_load_idx %arg26[%broadcast_in_dim3A_494, %add3A_498] : memref<128x2xf32, #tpu.memory_space<vmem>>[vector<16xi32>, vector<16xi32>], vector<16xf32>,
        %gather3A_500 = tpu.vector_load_idx %arg24[%broadcast_in_dim3A_494, %iota3A] : memref<128x32xf32, #tpu.memory_space<vmem>>[vector<16xi32>, vector<16xi32>], vector<16xf32>,
        %add3A_501 = arith.constant 16 : i32
        %add3A_502 = vector.broadcast %add3A_501 : i32 to vector<16xi32>
        %add3A_503 = arith.addi %iota3A, %add3A_502 : vector<16xi32>
        %gather3A_504 = tpu.vector_load_idx %arg24[%broadcast_in_dim3A_494, %add3A_503] : memref<128x32xf32, #tpu.memory_space<vmem>>[vector<16xi32>, vector<16xi32>], vector<16xf32>,
        %mul3A_505 = arith.mulf %gather3A_500, %gather3A_495 : vector<16xf32>
        tpu.vector_store_idx %arg27[%broadcast_in_dim3A_494, %iota3A], %mul3A_505 : memref<128x32xf32, #tpu.memory_space<vmem>>[vector<16xi32>, vector<16xi32>], vector<16xf32>,
        %add3A_506 = arith.constant 16 : i32
        %add3A_507 = vector.broadcast %add3A_506 : i32 to vector<16xi32>
        %add3A_508 = arith.addi %iota3A, %add3A_507 : vector<16xi32>
        %mul3A_509 = arith.mulf %gather3A_504, %gather3A_499 : vector<16xf32>
        tpu.vector_store_idx %arg27[%broadcast_in_dim3A_494, %add3A_508], %mul3A_509 : memref<128x32xf32, #tpu.memory_space<vmem>>[vector<16xi32>, vector<16xi32>], vector<16xf32>,
        %mul3A_510 = arith.constant 4 : i32
        %mul3A_511 = arith.muli %mul3A_510, %scan3A_464 : i32
        %add3A_512 = arith.constant 1 : i32
        %add3A_513 = arith.addi %mul3A_511, %add3A_512 : i32
        %broadcast_in_dim3A_514 = vector.broadcast %add3A_513 : i32 to vector<16xi32>
        %gather3A_515 = tpu.vector_load_idx %arg26[%broadcast_in_dim3A_514, %broadcast_in_dim3A_489] : memref<128x2xf32, #tpu.memory_space<vmem>>[vector<16xi32>, vector<16xi32>], vector<16xf32>,
        %add3A_516 = arith.constant 1 : i32
        %add3A_517 = vector.broadcast %add3A_516 : i32 to vector<16xi32>
        %add3A_518 = arith.addi %broadcast_in_dim3A_489, %add3A_517 : vector<16xi32>
        %gather3A_519 = tpu.vector_load_idx %arg26[%broadcast_in_dim3A_514, %add3A_518] : memref<128x2xf32, #tpu.memory_space<vmem>>[vector<16xi32>, vector<16xi32>], vector<16xf32>,
        %gather3A_520 = tpu.vector_load_idx %arg24[%broadcast_in_dim3A_514, %iota3A] : memref<128x32xf32, #tpu.memory_space<vmem>>[vector<16xi32>, vector<16xi32>], vector<16xf32>,
        %add3A_521 = arith.constant 16 : i32
        %add3A_522 = vector.broadcast %add3A_521 : i32 to vector<16xi32>
        %add3A_523 = arith.addi %iota3A, %add3A_522 : vector<16xi32>
        %gather3A_524 = tpu.vector_load_idx %arg24[%broadcast_in_dim3A_514, %add3A_523] : memref<128x32xf32, #tpu.memory_space<vmem>>[vector<16xi32>, vector<16xi32>], vector<16xf32>,
        %mul3A_525 = arith.mulf %gather3A_520, %gather3A_515 : vector<16xf32>
        tpu.vector_store_idx %arg27[%broadcast_in_dim3A_514, %iota3A], %mul3A_525 : memref<128x32xf32, #tpu.memory_space<vmem>>[vector<16xi32>, vector<16xi32>], vector<16xf32>,
        %add3A_526 = arith.constant 16 : i32
        %add3A_527 = vector.broadcast %add3A_526 : i32 to vector<16xi32>
        %add3A_528 = arith.addi %iota3A, %add3A_527 : vector<16xi32>
        %mul3A_529 = arith.mulf %gather3A_524, %gather3A_519 : vector<16xf32>
        tpu.vector_store_idx %arg27[%broadcast_in_dim3A_514, %add3A_528], %mul3A_529 : memref<128x32xf32, #tpu.memory_space<vmem>>[vector<16xi32>, vector<16xi32>], vector<16xf32>,
        %mul3A_530 = arith.constant 4 : i32
        %mul3A_531 = arith.muli %mul3A_530, %scan3A_464 : i32
        %add3A_532 = arith.constant 2 : i32
        %add3A_533 = arith.addi %mul3A_531, %add3A_532 : i32
        %broadcast_in_dim3A_534 = vector.broadcast %add3A_533 : i32 to vector<16xi32>
        %gather3A_535 = tpu.vector_load_idx %arg26[%broadcast_in_dim3A_534, %broadcast_in_dim3A_489] : memref<128x2xf32, #tpu.memory_space<vmem>>[vector<16xi32>, vector<16xi32>], vector<16xf32>,
        %add3A_536 = arith.constant 1 : i32
        %add3A_537 = vector.broadcast %add3A_536 : i32 to vector<16xi32>
        %add3A_538 = arith.addi %broadcast_in_dim3A_489, %add3A_537 : vector<16xi32>
        %gather3A_539 = tpu.vector_load_idx %arg26[%broadcast_in_dim3A_534, %add3A_538] : memref<128x2xf32, #tpu.memory_space<vmem>>[vector<16xi32>, vector<16xi32>], vector<16xf32>,
        %gather3A_540 = tpu.vector_load_idx %arg24[%broadcast_in_dim3A_534, %iota3A] : memref<128x32xf32, #tpu.memory_space<vmem>>[vector<16xi32>, vector<16xi32>], vector<16xf32>,
        %add3A_541 = arith.constant 16 : i32
        %add3A_542 = vector.broadcast %add3A_541 : i32 to vector<16xi32>
        %add3A_543 = arith.addi %iota3A, %add3A_542 : vector<16xi32>
        %gather3A_544 = tpu.vector_load_idx %arg24[%broadcast_in_dim3A_534, %add3A_543] : memref<128x32xf32, #tpu.memory_space<vmem>>[vector<16xi32>, vector<16xi32>], vector<16xf32>,
        %mul3A_545 = arith.mulf %gather3A_540, %gather3A_535 : vector<16xf32>
        tpu.vector_store_idx %arg27[%broadcast_in_dim3A_534, %iota3A], %mul3A_545 : memref<128x32xf32, #tpu.memory_space<vmem>>[vector<16xi32>, vector<16xi32>], vector<16xf32>,
        %add3A_546 = arith.constant 16 : i32
        %add3A_547 = vector.broadcast %add3A_546 : i32 to vector<16xi32>
        %add3A_548 = arith.addi %iota3A, %add3A_547 : vector<16xi32>
        %mul3A_549 = arith.mulf %gather3A_544, %gather3A_539 : vector<16xf32>
        tpu.vector_store_idx %arg27[%broadcast_in_dim3A_534, %add3A_548], %mul3A_549 : memref<128x32xf32, #tpu.memory_space<vmem>>[vector<16xi32>, vector<16xi32>], vector<16xf32>,
        %mul3A_550 = arith.constant 4 : i32
        %mul3A_551 = arith.muli %mul3A_550, %scan3A_464 : i32
        %add3A_552 = arith.constant 3 : i32
        %add3A_553 = arith.addi %mul3A_551, %add3A_552 : i32
        %broadcast_in_dim3A_554 = vector.broadcast %add3A_553 : i32 to vector<16xi32>
        %gather3A_555 = tpu.vector_load_idx %arg26[%broadcast_in_dim3A_554, %broadcast_in_dim3A_489] : memref<128x2xf32, #tpu.memory_space<vmem>>[vector<16xi32>, vector<16xi32>], vector<16xf32>,
        %add3A_556 = arith.constant 1 : i32
        %add3A_557 = vector.broadcast %add3A_556 : i32 to vector<16xi32>
        %add3A_558 = arith.addi %broadcast_in_dim3A_489, %add3A_557 : vector<16xi32>
        %gather3A_559 = tpu.vector_load_idx %arg26[%broadcast_in_dim3A_554, %add3A_558] : memref<128x2xf32, #tpu.memory_space<vmem>>[vector<16xi32>, vector<16xi32>], vector<16xf32>,
        %gather3A_560 = tpu.vector_load_idx %arg24[%broadcast_in_dim3A_554, %iota3A] : memref<128x32xf32, #tpu.memory_space<vmem>>[vector<16xi32>, vector<16xi32>], vector<16xf32>,
        %add3A_561 = arith.constant 16 : i32
        %add3A_562 = vector.broadcast %add3A_561 : i32 to vector<16xi32>
        %add3A_563 = arith.addi %iota3A, %add3A_562 : vector<16xi32>
        %gather3A_564 = tpu.vector_load_idx %arg24[%broadcast_in_dim3A_554, %add3A_563] : memref<128x32xf32, #tpu.memory_space<vmem>>[vector<16xi32>, vector<16xi32>], vector<16xf32>,
        %mul3A_565 = arith.mulf %gather3A_560, %gather3A_555 : vector<16xf32>
        tpu.vector_store_idx %arg27[%broadcast_in_dim3A_554, %iota3A], %mul3A_565 : memref<128x32xf32, #tpu.memory_space<vmem>>[vector<16xi32>, vector<16xi32>], vector<16xf32>,
        %add3A_566 = arith.constant 16 : i32
        %add3A_567 = vector.broadcast %add3A_566 : i32 to vector<16xi32>
        %add3A_568 = arith.addi %iota3A, %add3A_567 : vector<16xi32>
        %mul3A_569 = arith.mulf %gather3A_564, %gather3A_559 : vector<16xf32>
        tpu.vector_store_idx %arg27[%broadcast_in_dim3A_554, %add3A_568], %mul3A_569 : memref<128x32xf32, #tpu.memory_space<vmem>>[vector<16xi32>, vector<16xi32>], vector<16xf32>,
      }
      %scan3A_242 = arith.constant 32 : i32
      %dma_start3A_243 = arith.constant 0 : i32
      %dma_start3A_244 = arith.constant 0 : i32
      %dma_start3A_245 = tpu.memref_slice %arg12[%dma_start3A_243, %dma_start3A_244] : memref<50176x32xf32, #tpu.memory_space<vmem_shared>> -> memref<50176x32xf32, #tpu.memory_space<vmem_shared>>
      tpu.enqueue_indirect_dma source(%arg27 : memref<128x32xf32, #tpu.memory_space<vmem>>) target(%dma_start3A_245 : memref<50176x32xf32, #tpu.memory_space<vmem_shared>>) offsets(%arg16 : memref<128xi32, #tpu.memory_space<vmem>>) semaphore(%arg30 : memref<!tpu.dma_semaphore, #tpu.memory_space<semaphore_mem>>) {add = true}
      %dma_start3A_246 = arith.constant 0 : i32
      %dma_start3A_247 = arith.constant 0 : i32
      %dma_start3A_248 = tpu.memref_slice %arg13[%dma_start3A_246, %dma_start3A_247] : memref<50176x2xf32, #tpu.memory_space<vmem_shared>> -> memref<50176x2xf32, #tpu.memory_space<vmem_shared>>
      tpu.enqueue_indirect_dma source(%arg26 : memref<128x2xf32, #tpu.memory_space<vmem>>) target(%dma_start3A_248 : memref<50176x2xf32, #tpu.memory_space<vmem_shared>>) offsets(%arg16 : memref<128xi32, #tpu.memory_space<vmem>>) semaphore(%arg30 : memref<!tpu.dma_semaphore, #tpu.memory_space<semaphore_mem>>) {add = true}
      %dma_wait3A_249 = arith.constant 0 : i32
      %dma_wait3A_250 = arith.constant 0 : i32
      %dma_wait3A_251 = tpu.memref_slice %arg12[%dma_wait3A_249, %dma_wait3A_250] : memref<50176x32xf32, #tpu.memory_space<vmem_shared>> -> memref<50176x32xf32, #tpu.memory_space<vmem_shared>>
      tpu.wait_indirect_dma semaphore(%arg30 : memref<!tpu.dma_semaphore, #tpu.memory_space<semaphore_mem>>) src(%arg27 : memref<128x32xf32, #tpu.memory_space<vmem>>) dst(%dma_wait3A_251 : memref<50176x32xf32, #tpu.memory_space<vmem_shared>>)
      %dma_wait3A_252 = arith.constant 0 : i32
      %dma_wait3A_253 = arith.constant 0 : i32
      %dma_wait3A_254 = tpu.memref_slice %arg13[%dma_wait3A_252, %dma_wait3A_253] : memref<50176x2xf32, #tpu.memory_space<vmem_shared>> -> memref<50176x2xf32, #tpu.memory_space<vmem_shared>>
      tpu.wait_indirect_dma semaphore(%arg30 : memref<!tpu.dma_semaphore, #tpu.memory_space<semaphore_mem>>) src(%arg26 : memref<128x2xf32, #tpu.memory_space<vmem>>) dst(%dma_wait3A_254 : memref<50176x2xf32, #tpu.memory_space<vmem_shared>>)
      %add3A_255 = arith.constant 2 : i32
      %add3A_256 = arith.addi %mul3A_147, %add3A_255 : i32
      %mul3A_257 = arith.constant 50176 : i32
      %mul3A_258 = arith.muli %arg1, %mul3A_257 : i32
      %mul3A_259 = arith.constant 128 : i32
      %mul3A_260 = arith.muli %add3A_256, %mul3A_259 : i32
      %add3A_261 = arith.addi %mul3A_258, %mul3A_260 : i32
      "tpu.region"() ({
        %run_scoped3A = tpu.sem_alloc : memref<!tpu.dma_semaphore, #tpu.memory_space<semaphore_mem>>
        %dma_start3A_362 = tpu.memref_slice %arg2[%add3A_261] : memref<802944xi32, #tpu.memory_space<hbm>> -> memref<128xi32, #tpu.memory_space<hbm>>
        %dma_start3A_363 = tpu.memref_slice %arg2[%add3A_261] : memref<802944xi32, #tpu.memory_space<hbm>> -> memref<128xi32, #tpu.memory_space<hbm>>
        tpu.enqueue_dma source(%dma_start3A_363 : memref<128xi32, #tpu.memory_space<hbm>>) target(%arg14 : memref<128xi32, #tpu.memory_space<vmem>>) target_semaphore(%run_scoped3A : memref<!tpu.dma_semaphore, #tpu.memory_space<semaphore_mem>>)
        %dma_wait3A_364 = tpu.memref_slice %arg2[%add3A_261] : memref<802944xi32, #tpu.memory_space<hbm>> -> memref<128xi32, #tpu.memory_space<hbm>>
        %dma_wait3A_365 = tpu.memref_slice %arg2[%add3A_261] : memref<802944xi32, #tpu.memory_space<hbm>> -> memref<128xi32, #tpu.memory_space<hbm>>
        tpu.wait_dma2 semaphore(%run_scoped3A : memref<!tpu.dma_semaphore, #tpu.memory_space<semaphore_mem>>) src(%dma_wait3A_365 : memref<128xi32, #tpu.memory_space<hbm>>) dst(%arg14 : memref<128xi32, #tpu.memory_space<vmem>>)
        tpu.yield
      }) : () -> ()
      "tpu.region"() ({
        %run_scoped3A = tpu.sem_alloc : memref<!tpu.dma_semaphore, #tpu.memory_space<semaphore_mem>>
        %dma_start3A_362 = tpu.memref_slice %arg3[%add3A_261] : memref<802944xi32, #tpu.memory_space<hbm>> -> memref<128xi32, #tpu.memory_space<hbm>>
        %dma_start3A_363 = tpu.memref_slice %arg3[%add3A_261] : memref<802944xi32, #tpu.memory_space<hbm>> -> memref<128xi32, #tpu.memory_space<hbm>>
        tpu.enqueue_dma source(%dma_start3A_363 : memref<128xi32, #tpu.memory_space<hbm>>) target(%arg16 : memref<128xi32, #tpu.memory_space<vmem>>) target_semaphore(%run_scoped3A : memref<!tpu.dma_semaphore, #tpu.memory_space<semaphore_mem>>)
        %dma_wait3A_364 = tpu.memref_slice %arg3[%add3A_261] : memref<802944xi32, #tpu.memory_space<hbm>> -> memref<128xi32, #tpu.memory_space<hbm>>
        %dma_wait3A_365 = tpu.memref_slice %arg3[%add3A_261] : memref<802944xi32, #tpu.memory_space<hbm>> -> memref<128xi32, #tpu.memory_space<hbm>>
        tpu.wait_dma2 semaphore(%run_scoped3A : memref<!tpu.dma_semaphore, #tpu.memory_space<semaphore_mem>>) src(%dma_wait3A_365 : memref<128xi32, #tpu.memory_space<hbm>>) dst(%arg16 : memref<128xi32, #tpu.memory_space<vmem>>)
        tpu.yield
      }) : () -> ()
      %get3A_262 = arith.constant 0 : index
      %get3A_263 = tpu.vector_load %arg14[%get3A_262] {strides = array<i32>} : memref<128xi32, #tpu.memory_space<vmem>>, vector<16xi32>,
      %mul3A_264 = arith.constant 50176 : i32
      %mul3A_265 = arith.muli %arg0, %mul3A_264 : i32
      %add3A_266 = vector.broadcast %mul3A_265 : i32 to vector<16xi32>
      %add3A_267 = arith.addi %get3A_263, %add3A_266 : vector<16xi32>
      %swap3A_268 = arith.constant 0 : index
      %swap3A_269 = tpu.vector_load %arg18[%swap3A_268] {strides = array<i32>} : memref<128xi32, #tpu.memory_space<vmem>>, vector<16xi32>,
      tpu.vector_store %arg18[%swap3A_268], %add3A_267 {strides = array<i32>} : memref<128xi32, #tpu.memory_space<vmem>>, vector<16xi32>,
      %get3A_270 = arith.constant 16 : index
      %get3A_271 = tpu.vector_load %arg14[%get3A_270] {strides = array<i32>} : memref<128xi32, #tpu.memory_space<vmem>>, vector<16xi32>,
      %mul3A_272 = arith.constant 50176 : i32
      %mul3A_273 = arith.muli %arg0, %mul3A_272 : i32
      %add3A_274 = vector.broadcast %mul3A_273 : i32 to vector<16xi32>
      %add3A_275 = arith.addi %get3A_271, %add3A_274 : vector<16xi32>
      %swap3A_276 = arith.constant 16 : index
      %swap3A_277 = tpu.vector_load %arg18[%swap3A_276] {strides = array<i32>} : memref<128xi32, #tpu.memory_space<vmem>>, vector<16xi32>,
      tpu.vector_store %arg18[%swap3A_276], %add3A_275 {strides = array<i32>} : memref<128xi32, #tpu.memory_space<vmem>>, vector<16xi32>,
      %get3A_278 = arith.constant 32 : index
      %get3A_279 = tpu.vector_load %arg14[%get3A_278] {strides = array<i32>} : memref<128xi32, #tpu.memory_space<vmem>>, vector<16xi32>,
      %mul3A_280 = arith.constant 50176 : i32
      %mul3A_281 = arith.muli %arg0, %mul3A_280 : i32
      %add3A_282 = vector.broadcast %mul3A_281 : i32 to vector<16xi32>
      %add3A_283 = arith.addi %get3A_279, %add3A_282 : vector<16xi32>
      %swap3A_284 = arith.constant 32 : index
      %swap3A_285 = tpu.vector_load %arg18[%swap3A_284] {strides = array<i32>} : memref<128xi32, #tpu.memory_space<vmem>>, vector<16xi32>,
      tpu.vector_store %arg18[%swap3A_284], %add3A_283 {strides = array<i32>} : memref<128xi32, #tpu.memory_space<vmem>>, vector<16xi32>,
      %get3A_286 = arith.constant 48 : index
      %get3A_287 = tpu.vector_load %arg14[%get3A_286] {strides = array<i32>} : memref<128xi32, #tpu.memory_space<vmem>>, vector<16xi32>,
      %mul3A_288 = arith.constant 50176 : i32
      %mul3A_289 = arith.muli %arg0, %mul3A_288 : i32
      %add3A_290 = vector.broadcast %mul3A_289 : i32 to vector<16xi32>
      %add3A_291 = arith.addi %get3A_287, %add3A_290 : vector<16xi32>
      %swap3A_292 = arith.constant 48 : index
      %swap3A_293 = tpu.vector_load %arg18[%swap3A_292] {strides = array<i32>} : memref<128xi32, #tpu.memory_space<vmem>>, vector<16xi32>,
      tpu.vector_store %arg18[%swap3A_292], %add3A_291 {strides = array<i32>} : memref<128xi32, #tpu.memory_space<vmem>>, vector<16xi32>,
      %get3A_294 = arith.constant 64 : index
      %get3A_295 = tpu.vector_load %arg14[%get3A_294] {strides = array<i32>} : memref<128xi32, #tpu.memory_space<vmem>>, vector<16xi32>,
      %mul3A_296 = arith.constant 50176 : i32
      %mul3A_297 = arith.muli %arg0, %mul3A_296 : i32
      %add3A_298 = vector.broadcast %mul3A_297 : i32 to vector<16xi32>
      %add3A_299 = arith.addi %get3A_295, %add3A_298 : vector<16xi32>
      %swap3A_300 = arith.constant 64 : index
      %swap3A_301 = tpu.vector_load %arg18[%swap3A_300] {strides = array<i32>} : memref<128xi32, #tpu.memory_space<vmem>>, vector<16xi32>,
      tpu.vector_store %arg18[%swap3A_300], %add3A_299 {strides = array<i32>} : memref<128xi32, #tpu.memory_space<vmem>>, vector<16xi32>,
      %get3A_302 = arith.constant 80 : index
      %get3A_303 = tpu.vector_load %arg14[%get3A_302] {strides = array<i32>} : memref<128xi32, #tpu.memory_space<vmem>>, vector<16xi32>,
      %mul3A_304 = arith.constant 50176 : i32
      %mul3A_305 = arith.muli %arg0, %mul3A_304 : i32
      %add3A_306 = vector.broadcast %mul3A_305 : i32 to vector<16xi32>
      %add3A_307 = arith.addi %get3A_303, %add3A_306 : vector<16xi32>
      %swap3A_308 = arith.constant 80 : index
      %swap3A_309 = tpu.vector_load %arg18[%swap3A_308] {strides = array<i32>} : memref<128xi32, #tpu.memory_space<vmem>>, vector<16xi32>,
      tpu.vector_store %arg18[%swap3A_308], %add3A_307 {strides = array<i32>} : memref<128xi32, #tpu.memory_space<vmem>>, vector<16xi32>,
      %get3A_310 = arith.constant 96 : index
      %get3A_311 = tpu.vector_load %arg14[%get3A_310] {strides = array<i32>} : memref<128xi32, #tpu.memory_space<vmem>>, vector<16xi32>,
      %mul3A_312 = arith.constant 50176 : i32
      %mul3A_313 = arith.muli %arg0, %mul3A_312 : i32
      %add3A_314 = vector.broadcast %mul3A_313 : i32 to vector<16xi32>
      %add3A_315 = arith.addi %get3A_311, %add3A_314 : vector<16xi32>
      %swap3A_316 = arith.constant 96 : index
      %swap3A_317 = tpu.vector_load %arg18[%swap3A_316] {strides = array<i32>} : memref<128xi32, #tpu.memory_space<vmem>>, vector<16xi32>,
      tpu.vector_store %arg18[%swap3A_316], %add3A_315 {strides = array<i32>} : memref<128xi32, #tpu.memory_space<vmem>>, vector<16xi32>,
      %get3A_318 = arith.constant 112 : index
      %get3A_319 = tpu.vector_load %arg14[%get3A_318] {strides = array<i32>} : memref<128xi32, #tpu.memory_space<vmem>>, vector<16xi32>,
      %mul3A_320 = arith.constant 50176 : i32
      %mul3A_321 = arith.muli %arg0, %mul3A_320 : i32
      %add3A_322 = vector.broadcast %mul3A_321 : i32 to vector<16xi32>
      %add3A_323 = arith.addi %get3A_319, %add3A_322 : vector<16xi32>
      %swap3A_324 = arith.constant 112 : index
      %swap3A_325 = tpu.vector_load %arg18[%swap3A_324] {strides = array<i32>} : memref<128xi32, #tpu.memory_space<vmem>>, vector<16xi32>,
      tpu.vector_store %arg18[%swap3A_324], %add3A_323 {strides = array<i32>} : memref<128xi32, #tpu.memory_space<vmem>>, vector<16xi32>,
      %dma_start3A_326 = arith.constant 0 : i32
      %dma_start3A_327 = arith.constant 0 : i32
      %dma_start3A_328 = tpu.memref_slice %arg4[%dma_start3A_326, %dma_start3A_327] : memref<50176x4xf32, #tpu.memory_space<hbm>> -> memref<50176x4xf32, #tpu.memory_space<hbm>>
      tpu.enqueue_indirect_dma source(%dma_start3A_328 : memref<50176x4xf32, #tpu.memory_space<hbm>>) target(%arg20 : memref<128x4xf32, #tpu.memory_space<vmem>>) offsets(%arg14 : memref<128xi32, #tpu.memory_space<vmem>>) semaphore(%arg28 : memref<!tpu.dma_semaphore, #tpu.memory_space<semaphore_mem>>)
      %dma_start3A_329 = arith.constant 0 : i32
      %dma_start3A_330 = arith.constant 0 : i32
      %dma_start3A_331 = tpu.memref_slice %arg5[%dma_start3A_329, %dma_start3A_330] : memref<50176x4xf32, #tpu.memory_space<hbm>> -> memref<50176x4xf32, #tpu.memory_space<hbm>>
      tpu.enqueue_indirect_dma source(%dma_start3A_331 : memref<50176x4xf32, #tpu.memory_space<hbm>>) target(%arg22 : memref<128x4xf32, #tpu.memory_space<vmem>>) offsets(%arg16 : memref<128xi32, #tpu.memory_space<vmem>>) semaphore(%arg28 : memref<!tpu.dma_semaphore, #tpu.memory_space<semaphore_mem>>)
      %dma_start3A_332 = arith.constant 0 : i32
      %dma_start3A_333 = arith.constant 0 : i32
      %dma_start3A_334 = tpu.memref_slice %arg6[%dma_start3A_332, %dma_start3A_333] : memref<100352x32xf32, #tpu.memory_space<hbm>> -> memref<100352x32xf32, #tpu.memory_space<hbm>>
      tpu.enqueue_indirect_dma source(%dma_start3A_334 : memref<100352x32xf32, #tpu.memory_space<hbm>>) target(%arg24 : memref<128x32xf32, #tpu.memory_space<vmem>>) offsets(%arg18 : memref<128xi32, #tpu.memory_space<vmem>>) semaphore(%arg28 : memref<!tpu.dma_semaphore, #tpu.memory_space<semaphore_mem>>)
      %dma_wait3A_335 = arith.constant 0 : i32
      %dma_wait3A_336 = arith.constant 0 : i32
      %dma_wait3A_337 = tpu.memref_slice %arg4[%dma_wait3A_335, %dma_wait3A_336] : memref<50176x4xf32, #tpu.memory_space<hbm>> -> memref<50176x4xf32, #tpu.memory_space<hbm>>
      tpu.wait_indirect_dma semaphore(%arg29 : memref<!tpu.dma_semaphore, #tpu.memory_space<semaphore_mem>>) src(%dma_wait3A_337 : memref<50176x4xf32, #tpu.memory_space<hbm>>) dst(%arg21 : memref<128x4xf32, #tpu.memory_space<vmem>>)
      %dma_wait3A_338 = arith.constant 0 : i32
      %dma_wait3A_339 = arith.constant 0 : i32
      %dma_wait3A_340 = tpu.memref_slice %arg5[%dma_wait3A_338, %dma_wait3A_339] : memref<50176x4xf32, #tpu.memory_space<hbm>> -> memref<50176x4xf32, #tpu.memory_space<hbm>>
      tpu.wait_indirect_dma semaphore(%arg29 : memref<!tpu.dma_semaphore, #tpu.memory_space<semaphore_mem>>) src(%dma_wait3A_340 : memref<50176x4xf32, #tpu.memory_space<hbm>>) dst(%arg23 : memref<128x4xf32, #tpu.memory_space<vmem>>)
      %dma_wait3A_341 = arith.constant 0 : i32
      %dma_wait3A_342 = arith.constant 0 : i32
      %dma_wait3A_343 = tpu.memref_slice %arg6[%dma_wait3A_341, %dma_wait3A_342] : memref<100352x32xf32, #tpu.memory_space<hbm>> -> memref<100352x32xf32, #tpu.memory_space<hbm>>
      tpu.wait_indirect_dma semaphore(%arg29 : memref<!tpu.dma_semaphore, #tpu.memory_space<semaphore_mem>>) src(%dma_wait3A_343 : memref<100352x32xf32, #tpu.memory_space<hbm>>) dst(%arg25 : memref<128x32xf32, #tpu.memory_space<vmem>>)
      %scan3A_344 = arith.constant 0 : i32
      %scan3A_345 = arith.constant 0 : i32
      %scan3A_346 = arith.constant 32 : i32
      %scan3A_347 = arith.addi %scan3A_345, %scan3A_346 : i32
      %scan3A_348 = arith.constant 2 : i32
      scf.for %scan3A_362 = %scan3A_345 to %scan3A_347 step %scan3A_348  : i32 {
        %mul3A_363 = arith.constant 4 : i32
        %mul3A_364 = arith.muli %mul3A_363, %scan3A_362 : i32
        %add3A_365 = vector.broadcast %mul3A_364 : i32 to vector<16xi32>
        %add3A_366 = arith.addi %add3A_365, %select_n3A : vector<16xi32>
        %gather3A = tpu.vector_load_idx %arg21[%add3A_366, %select_n3A_50] : memref<128x4xf32, #tpu.memory_space<vmem>>[vector<16xi32>, vector<16xi32>], vector<16xf32>,
        %gather3A_367 = tpu.vector_load_idx %arg23[%add3A_366, %select_n3A_50] : memref<128x4xf32, #tpu.memory_space<vmem>>[vector<16xi32>, vector<16xi32>], vector<16xf32>,
        %add3A_368 = arith.addf %gather3A, %gather3A_367 : vector<16xf32>
        %mul3A_369 = arith.constant 2.000000e-01 : f32
        %mul3A_370 = vector.broadcast %mul3A_369 : f32 to vector<16xf32>
        %mul3A_371 = arith.mulf %mul3A_370, %add3A_368 : vector<16xf32>
        %max3A = arith.maximumf %add3A_368, %mul3A_371 : vector<16xf32>
        %exp3A = math.exp %max3A : vector<16xf32>
        %sub3A_372 = vector.broadcast %mul3A_7 : i32 to vector<16xi32>
        %sub3A_373 = arith.subi %select_n3A_50, %sub3A_372 : vector<16xi32>
        %jit3A_374 = arith.constant 0 : i32
        %jit3A_375 = arith.constant 1 : i32
        %max3A_376 = vector.broadcast %jit3A_374 : i32 to vector<16xi32>
        %max3A_377 = arith.maxsi %max3A_376, %sub3A_373 : vector<16xi32>
        %min3A = vector.broadcast %jit3A_375 : i32 to vector<16xi32>
        %min3A_378 = arith.minsi %min3A, %max3A_377 : vector<16xi32>
        %sub3A_379 = vector.broadcast %mul3A_7 : i32 to vector<16xi32>
        %sub3A_380 = arith.subi %select_n3A_50, %sub3A_379 : vector<16xi32>
        %eq3A_381 = arith.cmpi eq, %sub3A_380, %min3A_378 : vector<16xi32>
        tpu.vector_store_idx %arg26[%add3A_366, %min3A_378], %exp3A masked %eq3A_381 : memref<128x2xf32, #tpu.memory_space<vmem>>[vector<16xi32>, vector<16xi32>], vector<16xf32>, vector<16xi1>
        %broadcast_in_dim3A = arith.constant 0 : i32
        %broadcast_in_dim3A_382 = vector.broadcast %broadcast_in_dim3A : i32 to vector<16xi32>
        %mul3A_383 = arith.constant 4 : i32
        %mul3A_384 = arith.muli %mul3A_383, %scan3A_362 : i32
        %add3A_385 = arith.constant 0 : i32
        %add3A_386 = arith.addi %mul3A_384, %add3A_385 : i32
        %broadcast_in_dim3A_387 = vector.broadcast %add3A_386 : i32 to vector<16xi32>
        %gather3A_388 = tpu.vector_load_idx %arg26[%broadcast_in_dim3A_387, %broadcast_in_dim3A_382] : memref<128x2xf32, #tpu.memory_space<vmem>>[vector<16xi32>, vector<16xi32>], vector<16xf32>,
        %add3A_389 = arith.constant 1 : i32
        %add3A_390 = vector.broadcast %add3A_389 : i32 to vector<16xi32>
        %add3A_391 = arith.addi %broadcast_in_dim3A_382, %add3A_390 : vector<16xi32>
        %gather3A_392 = tpu.vector_load_idx %arg26[%broadcast_in_dim3A_387, %add3A_391] : memref<128x2xf32, #tpu.memory_space<vmem>>[vector<16xi32>, vector<16xi32>], vector<16xf32>,
        %gather3A_393 = tpu.vector_load_idx %arg25[%broadcast_in_dim3A_387, %iota3A] : memref<128x32xf32, #tpu.memory_space<vmem>>[vector<16xi32>, vector<16xi32>], vector<16xf32>,
        %add3A_394 = arith.constant 16 : i32
        %add3A_395 = vector.broadcast %add3A_394 : i32 to vector<16xi32>
        %add3A_396 = arith.addi %iota3A, %add3A_395 : vector<16xi32>
        %gather3A_397 = tpu.vector_load_idx %arg25[%broadcast_in_dim3A_387, %add3A_396] : memref<128x32xf32, #tpu.memory_space<vmem>>[vector<16xi32>, vector<16xi32>], vector<16xf32>,
        %mul3A_398 = arith.mulf %gather3A_393, %gather3A_388 : vector<16xf32>
        tpu.vector_store_idx %arg27[%broadcast_in_dim3A_387, %iota3A], %mul3A_398 : memref<128x32xf32, #tpu.memory_space<vmem>>[vector<16xi32>, vector<16xi32>], vector<16xf32>,
        %add3A_399 = arith.constant 16 : i32
        %add3A_400 = vector.broadcast %add3A_399 : i32 to vector<16xi32>
        %add3A_401 = arith.addi %iota3A, %add3A_400 : vector<16xi32>
        %mul3A_402 = arith.mulf %gather3A_397, %gather3A_392 : vector<16xf32>
        tpu.vector_store_idx %arg27[%broadcast_in_dim3A_387, %add3A_401], %mul3A_402 : memref<128x32xf32, #tpu.memory_space<vmem>>[vector<16xi32>, vector<16xi32>], vector<16xf32>,
        %mul3A_403 = arith.constant 4 : i32
        %mul3A_404 = arith.muli %mul3A_403, %scan3A_362 : i32
        %add3A_405 = arith.constant 1 : i32
        %add3A_406 = arith.addi %mul3A_404, %add3A_405 : i32
        %broadcast_in_dim3A_407 = vector.broadcast %add3A_406 : i32 to vector<16xi32>
        %gather3A_408 = tpu.vector_load_idx %arg26[%broadcast_in_dim3A_407, %broadcast_in_dim3A_382] : memref<128x2xf32, #tpu.memory_space<vmem>>[vector<16xi32>, vector<16xi32>], vector<16xf32>,
        %add3A_409 = arith.constant 1 : i32
        %add3A_410 = vector.broadcast %add3A_409 : i32 to vector<16xi32>
        %add3A_411 = arith.addi %broadcast_in_dim3A_382, %add3A_410 : vector<16xi32>
        %gather3A_412 = tpu.vector_load_idx %arg26[%broadcast_in_dim3A_407, %add3A_411] : memref<128x2xf32, #tpu.memory_space<vmem>>[vector<16xi32>, vector<16xi32>], vector<16xf32>,
        %gather3A_413 = tpu.vector_load_idx %arg25[%broadcast_in_dim3A_407, %iota3A] : memref<128x32xf32, #tpu.memory_space<vmem>>[vector<16xi32>, vector<16xi32>], vector<16xf32>,
        %add3A_414 = arith.constant 16 : i32
        %add3A_415 = vector.broadcast %add3A_414 : i32 to vector<16xi32>
        %add3A_416 = arith.addi %iota3A, %add3A_415 : vector<16xi32>
        %gather3A_417 = tpu.vector_load_idx %arg25[%broadcast_in_dim3A_407, %add3A_416] : memref<128x32xf32, #tpu.memory_space<vmem>>[vector<16xi32>, vector<16xi32>], vector<16xf32>,
        %mul3A_418 = arith.mulf %gather3A_413, %gather3A_408 : vector<16xf32>
        tpu.vector_store_idx %arg27[%broadcast_in_dim3A_407, %iota3A], %mul3A_418 : memref<128x32xf32, #tpu.memory_space<vmem>>[vector<16xi32>, vector<16xi32>], vector<16xf32>,
        %add3A_419 = arith.constant 16 : i32
        %add3A_420 = vector.broadcast %add3A_419 : i32 to vector<16xi32>
        %add3A_421 = arith.addi %iota3A, %add3A_420 : vector<16xi32>
        %mul3A_422 = arith.mulf %gather3A_417, %gather3A_412 : vector<16xf32>
        tpu.vector_store_idx %arg27[%broadcast_in_dim3A_407, %add3A_421], %mul3A_422 : memref<128x32xf32, #tpu.memory_space<vmem>>[vector<16xi32>, vector<16xi32>], vector<16xf32>,
        %mul3A_423 = arith.constant 4 : i32
        %mul3A_424 = arith.muli %mul3A_423, %scan3A_362 : i32
        %add3A_425 = arith.constant 2 : i32
        %add3A_426 = arith.addi %mul3A_424, %add3A_425 : i32
        %broadcast_in_dim3A_427 = vector.broadcast %add3A_426 : i32 to vector<16xi32>
        %gather3A_428 = tpu.vector_load_idx %arg26[%broadcast_in_dim3A_427, %broadcast_in_dim3A_382] : memref<128x2xf32, #tpu.memory_space<vmem>>[vector<16xi32>, vector<16xi32>], vector<16xf32>,
        %add3A_429 = arith.constant 1 : i32
        %add3A_430 = vector.broadcast %add3A_429 : i32 to vector<16xi32>
        %add3A_431 = arith.addi %broadcast_in_dim3A_382, %add3A_430 : vector<16xi32>
        %gather3A_432 = tpu.vector_load_idx %arg26[%broadcast_in_dim3A_427, %add3A_431] : memref<128x2xf32, #tpu.memory_space<vmem>>[vector<16xi32>, vector<16xi32>], vector<16xf32>,
        %gather3A_433 = tpu.vector_load_idx %arg25[%broadcast_in_dim3A_427, %iota3A] : memref<128x32xf32, #tpu.memory_space<vmem>>[vector<16xi32>, vector<16xi32>], vector<16xf32>,
        %add3A_434 = arith.constant 16 : i32
        %add3A_435 = vector.broadcast %add3A_434 : i32 to vector<16xi32>
        %add3A_436 = arith.addi %iota3A, %add3A_435 : vector<16xi32>
        %gather3A_437 = tpu.vector_load_idx %arg25[%broadcast_in_dim3A_427, %add3A_436] : memref<128x32xf32, #tpu.memory_space<vmem>>[vector<16xi32>, vector<16xi32>], vector<16xf32>,
        %mul3A_438 = arith.mulf %gather3A_433, %gather3A_428 : vector<16xf32>
        tpu.vector_store_idx %arg27[%broadcast_in_dim3A_427, %iota3A], %mul3A_438 : memref<128x32xf32, #tpu.memory_space<vmem>>[vector<16xi32>, vector<16xi32>], vector<16xf32>,
        %add3A_439 = arith.constant 16 : i32
        %add3A_440 = vector.broadcast %add3A_439 : i32 to vector<16xi32>
        %add3A_441 = arith.addi %iota3A, %add3A_440 : vector<16xi32>
        %mul3A_442 = arith.mulf %gather3A_437, %gather3A_432 : vector<16xf32>
        tpu.vector_store_idx %arg27[%broadcast_in_dim3A_427, %add3A_441], %mul3A_442 : memref<128x32xf32, #tpu.memory_space<vmem>>[vector<16xi32>, vector<16xi32>], vector<16xf32>,
        %mul3A_443 = arith.constant 4 : i32
        %mul3A_444 = arith.muli %mul3A_443, %scan3A_362 : i32
        %add3A_445 = arith.constant 3 : i32
        %add3A_446 = arith.addi %mul3A_444, %add3A_445 : i32
        %broadcast_in_dim3A_447 = vector.broadcast %add3A_446 : i32 to vector<16xi32>
        %gather3A_448 = tpu.vector_load_idx %arg26[%broadcast_in_dim3A_447, %broadcast_in_dim3A_382] : memref<128x2xf32, #tpu.memory_space<vmem>>[vector<16xi32>, vector<16xi32>], vector<16xf32>,
        %add3A_449 = arith.constant 1 : i32
        %add3A_450 = vector.broadcast %add3A_449 : i32 to vector<16xi32>
        %add3A_451 = arith.addi %broadcast_in_dim3A_382, %add3A_450 : vector<16xi32>
        %gather3A_452 = tpu.vector_load_idx %arg26[%broadcast_in_dim3A_447, %add3A_451] : memref<128x2xf32, #tpu.memory_space<vmem>>[vector<16xi32>, vector<16xi32>], vector<16xf32>,
        %gather3A_453 = tpu.vector_load_idx %arg25[%broadcast_in_dim3A_447, %iota3A] : memref<128x32xf32, #tpu.memory_space<vmem>>[vector<16xi32>, vector<16xi32>], vector<16xf32>,
        %add3A_454 = arith.constant 16 : i32
        %add3A_455 = vector.broadcast %add3A_454 : i32 to vector<16xi32>
        %add3A_456 = arith.addi %iota3A, %add3A_455 : vector<16xi32>
        %gather3A_457 = tpu.vector_load_idx %arg25[%broadcast_in_dim3A_447, %add3A_456] : memref<128x32xf32, #tpu.memory_space<vmem>>[vector<16xi32>, vector<16xi32>], vector<16xf32>,
        %mul3A_458 = arith.mulf %gather3A_453, %gather3A_448 : vector<16xf32>
        tpu.vector_store_idx %arg27[%broadcast_in_dim3A_447, %iota3A], %mul3A_458 : memref<128x32xf32, #tpu.memory_space<vmem>>[vector<16xi32>, vector<16xi32>], vector<16xf32>,
        %add3A_459 = arith.constant 16 : i32
        %add3A_460 = vector.broadcast %add3A_459 : i32 to vector<16xi32>
        %add3A_461 = arith.addi %iota3A, %add3A_460 : vector<16xi32>
        %mul3A_462 = arith.mulf %gather3A_457, %gather3A_452 : vector<16xf32>
        tpu.vector_store_idx %arg27[%broadcast_in_dim3A_447, %add3A_461], %mul3A_462 : memref<128x32xf32, #tpu.memory_space<vmem>>[vector<16xi32>, vector<16xi32>], vector<16xf32>,
        %scan3A_463 = arith.constant 1 : i32
        %scan3A_464 = arith.addi %scan3A_362, %scan3A_463 : i32
        %mul3A_465 = arith.constant 4 : i32
        %mul3A_466 = arith.muli %mul3A_465, %scan3A_464 : i32
        %add3A_467 = vector.broadcast %mul3A_466 : i32 to vector<16xi32>
        %add3A_468 = arith.addi %add3A_467, %select_n3A : vector<16xi32>
        %gather3A_469 = tpu.vector_load_idx %arg21[%add3A_468, %select_n3A_50] : memref<128x4xf32, #tpu.memory_space<vmem>>[vector<16xi32>, vector<16xi32>], vector<16xf32>,
        %gather3A_470 = tpu.vector_load_idx %arg23[%add3A_468, %select_n3A_50] : memref<128x4xf32, #tpu.memory_space<vmem>>[vector<16xi32>, vector<16xi32>], vector<16xf32>,
        %add3A_471 = arith.addf %gather3A_469, %gather3A_470 : vector<16xf32>
        %mul3A_472 = arith.constant 2.000000e-01 : f32
        %mul3A_473 = vector.broadcast %mul3A_472 : f32 to vector<16xf32>
        %mul3A_474 = arith.mulf %mul3A_473, %add3A_471 : vector<16xf32>
        %max3A_475 = arith.maximumf %add3A_471, %mul3A_474 : vector<16xf32>
        %exp3A_476 = math.exp %max3A_475 : vector<16xf32>
        %sub3A_477 = vector.broadcast %mul3A_7 : i32 to vector<16xi32>
        %sub3A_478 = arith.subi %select_n3A_50, %sub3A_477 : vector<16xi32>
        %jit3A_479 = arith.constant 0 : i32
        %jit3A_480 = arith.constant 1 : i32
        %max3A_481 = vector.broadcast %jit3A_479 : i32 to vector<16xi32>
        %max3A_482 = arith.maxsi %max3A_481, %sub3A_478 : vector<16xi32>
        %min3A_483 = vector.broadcast %jit3A_480 : i32 to vector<16xi32>
        %min3A_484 = arith.minsi %min3A_483, %max3A_482 : vector<16xi32>
        %sub3A_485 = vector.broadcast %mul3A_7 : i32 to vector<16xi32>
        %sub3A_486 = arith.subi %select_n3A_50, %sub3A_485 : vector<16xi32>
        %eq3A_487 = arith.cmpi eq, %sub3A_486, %min3A_484 : vector<16xi32>
        tpu.vector_store_idx %arg26[%add3A_468, %min3A_484], %exp3A_476 masked %eq3A_487 : memref<128x2xf32, #tpu.memory_space<vmem>>[vector<16xi32>, vector<16xi32>], vector<16xf32>, vector<16xi1>
        %broadcast_in_dim3A_488 = arith.constant 0 : i32
        %broadcast_in_dim3A_489 = vector.broadcast %broadcast_in_dim3A_488 : i32 to vector<16xi32>
        %mul3A_490 = arith.constant 4 : i32
        %mul3A_491 = arith.muli %mul3A_490, %scan3A_464 : i32
        %add3A_492 = arith.constant 0 : i32
        %add3A_493 = arith.addi %mul3A_491, %add3A_492 : i32
        %broadcast_in_dim3A_494 = vector.broadcast %add3A_493 : i32 to vector<16xi32>
        %gather3A_495 = tpu.vector_load_idx %arg26[%broadcast_in_dim3A_494, %broadcast_in_dim3A_489] : memref<128x2xf32, #tpu.memory_space<vmem>>[vector<16xi32>, vector<16xi32>], vector<16xf32>,
        %add3A_496 = arith.constant 1 : i32
        %add3A_497 = vector.broadcast %add3A_496 : i32 to vector<16xi32>
        %add3A_498 = arith.addi %broadcast_in_dim3A_489, %add3A_497 : vector<16xi32>
        %gather3A_499 = tpu.vector_load_idx %arg26[%broadcast_in_dim3A_494, %add3A_498] : memref<128x2xf32, #tpu.memory_space<vmem>>[vector<16xi32>, vector<16xi32>], vector<16xf32>,
        %gather3A_500 = tpu.vector_load_idx %arg25[%broadcast_in_dim3A_494, %iota3A] : memref<128x32xf32, #tpu.memory_space<vmem>>[vector<16xi32>, vector<16xi32>], vector<16xf32>,
        %add3A_501 = arith.constant 16 : i32
        %add3A_502 = vector.broadcast %add3A_501 : i32 to vector<16xi32>
        %add3A_503 = arith.addi %iota3A, %add3A_502 : vector<16xi32>
        %gather3A_504 = tpu.vector_load_idx %arg25[%broadcast_in_dim3A_494, %add3A_503] : memref<128x32xf32, #tpu.memory_space<vmem>>[vector<16xi32>, vector<16xi32>], vector<16xf32>,
        %mul3A_505 = arith.mulf %gather3A_500, %gather3A_495 : vector<16xf32>
        tpu.vector_store_idx %arg27[%broadcast_in_dim3A_494, %iota3A], %mul3A_505 : memref<128x32xf32, #tpu.memory_space<vmem>>[vector<16xi32>, vector<16xi32>], vector<16xf32>,
        %add3A_506 = arith.constant 16 : i32
        %add3A_507 = vector.broadcast %add3A_506 : i32 to vector<16xi32>
        %add3A_508 = arith.addi %iota3A, %add3A_507 : vector<16xi32>
        %mul3A_509 = arith.mulf %gather3A_504, %gather3A_499 : vector<16xf32>
        tpu.vector_store_idx %arg27[%broadcast_in_dim3A_494, %add3A_508], %mul3A_509 : memref<128x32xf32, #tpu.memory_space<vmem>>[vector<16xi32>, vector<16xi32>], vector<16xf32>,
        %mul3A_510 = arith.constant 4 : i32
        %mul3A_511 = arith.muli %mul3A_510, %scan3A_464 : i32
        %add3A_512 = arith.constant 1 : i32
        %add3A_513 = arith.addi %mul3A_511, %add3A_512 : i32
        %broadcast_in_dim3A_514 = vector.broadcast %add3A_513 : i32 to vector<16xi32>
        %gather3A_515 = tpu.vector_load_idx %arg26[%broadcast_in_dim3A_514, %broadcast_in_dim3A_489] : memref<128x2xf32, #tpu.memory_space<vmem>>[vector<16xi32>, vector<16xi32>], vector<16xf32>,
        %add3A_516 = arith.constant 1 : i32
        %add3A_517 = vector.broadcast %add3A_516 : i32 to vector<16xi32>
        %add3A_518 = arith.addi %broadcast_in_dim3A_489, %add3A_517 : vector<16xi32>
        %gather3A_519 = tpu.vector_load_idx %arg26[%broadcast_in_dim3A_514, %add3A_518] : memref<128x2xf32, #tpu.memory_space<vmem>>[vector<16xi32>, vector<16xi32>], vector<16xf32>,
        %gather3A_520 = tpu.vector_load_idx %arg25[%broadcast_in_dim3A_514, %iota3A] : memref<128x32xf32, #tpu.memory_space<vmem>>[vector<16xi32>, vector<16xi32>], vector<16xf32>,
        %add3A_521 = arith.constant 16 : i32
        %add3A_522 = vector.broadcast %add3A_521 : i32 to vector<16xi32>
        %add3A_523 = arith.addi %iota3A, %add3A_522 : vector<16xi32>
        %gather3A_524 = tpu.vector_load_idx %arg25[%broadcast_in_dim3A_514, %add3A_523] : memref<128x32xf32, #tpu.memory_space<vmem>>[vector<16xi32>, vector<16xi32>], vector<16xf32>,
        %mul3A_525 = arith.mulf %gather3A_520, %gather3A_515 : vector<16xf32>
        tpu.vector_store_idx %arg27[%broadcast_in_dim3A_514, %iota3A], %mul3A_525 : memref<128x32xf32, #tpu.memory_space<vmem>>[vector<16xi32>, vector<16xi32>], vector<16xf32>,
        %add3A_526 = arith.constant 16 : i32
        %add3A_527 = vector.broadcast %add3A_526 : i32 to vector<16xi32>
        %add3A_528 = arith.addi %iota3A, %add3A_527 : vector<16xi32>
        %mul3A_529 = arith.mulf %gather3A_524, %gather3A_519 : vector<16xf32>
        tpu.vector_store_idx %arg27[%broadcast_in_dim3A_514, %add3A_528], %mul3A_529 : memref<128x32xf32, #tpu.memory_space<vmem>>[vector<16xi32>, vector<16xi32>], vector<16xf32>,
        %mul3A_530 = arith.constant 4 : i32
        %mul3A_531 = arith.muli %mul3A_530, %scan3A_464 : i32
        %add3A_532 = arith.constant 2 : i32
        %add3A_533 = arith.addi %mul3A_531, %add3A_532 : i32
        %broadcast_in_dim3A_534 = vector.broadcast %add3A_533 : i32 to vector<16xi32>
        %gather3A_535 = tpu.vector_load_idx %arg26[%broadcast_in_dim3A_534, %broadcast_in_dim3A_489] : memref<128x2xf32, #tpu.memory_space<vmem>>[vector<16xi32>, vector<16xi32>], vector<16xf32>,
        %add3A_536 = arith.constant 1 : i32
        %add3A_537 = vector.broadcast %add3A_536 : i32 to vector<16xi32>
        %add3A_538 = arith.addi %broadcast_in_dim3A_489, %add3A_537 : vector<16xi32>
        %gather3A_539 = tpu.vector_load_idx %arg26[%broadcast_in_dim3A_534, %add3A_538] : memref<128x2xf32, #tpu.memory_space<vmem>>[vector<16xi32>, vector<16xi32>], vector<16xf32>,
        %gather3A_540 = tpu.vector_load_idx %arg25[%broadcast_in_dim3A_534, %iota3A] : memref<128x32xf32, #tpu.memory_space<vmem>>[vector<16xi32>, vector<16xi32>], vector<16xf32>,
        %add3A_541 = arith.constant 16 : i32
        %add3A_542 = vector.broadcast %add3A_541 : i32 to vector<16xi32>
        %add3A_543 = arith.addi %iota3A, %add3A_542 : vector<16xi32>
        %gather3A_544 = tpu.vector_load_idx %arg25[%broadcast_in_dim3A_534, %add3A_543] : memref<128x32xf32, #tpu.memory_space<vmem>>[vector<16xi32>, vector<16xi32>], vector<16xf32>,
        %mul3A_545 = arith.mulf %gather3A_540, %gather3A_535 : vector<16xf32>
        tpu.vector_store_idx %arg27[%broadcast_in_dim3A_534, %iota3A], %mul3A_545 : memref<128x32xf32, #tpu.memory_space<vmem>>[vector<16xi32>, vector<16xi32>], vector<16xf32>,
        %add3A_546 = arith.constant 16 : i32
        %add3A_547 = vector.broadcast %add3A_546 : i32 to vector<16xi32>
        %add3A_548 = arith.addi %iota3A, %add3A_547 : vector<16xi32>
        %mul3A_549 = arith.mulf %gather3A_544, %gather3A_539 : vector<16xf32>
        tpu.vector_store_idx %arg27[%broadcast_in_dim3A_534, %add3A_548], %mul3A_549 : memref<128x32xf32, #tpu.memory_space<vmem>>[vector<16xi32>, vector<16xi32>], vector<16xf32>,
        %mul3A_550 = arith.constant 4 : i32
        %mul3A_551 = arith.muli %mul3A_550, %scan3A_464 : i32
        %add3A_552 = arith.constant 3 : i32
        %add3A_553 = arith.addi %mul3A_551, %add3A_552 : i32
        %broadcast_in_dim3A_554 = vector.broadcast %add3A_553 : i32 to vector<16xi32>
        %gather3A_555 = tpu.vector_load_idx %arg26[%broadcast_in_dim3A_554, %broadcast_in_dim3A_489] : memref<128x2xf32, #tpu.memory_space<vmem>>[vector<16xi32>, vector<16xi32>], vector<16xf32>,
        %add3A_556 = arith.constant 1 : i32
        %add3A_557 = vector.broadcast %add3A_556 : i32 to vector<16xi32>
        %add3A_558 = arith.addi %broadcast_in_dim3A_489, %add3A_557 : vector<16xi32>
        %gather3A_559 = tpu.vector_load_idx %arg26[%broadcast_in_dim3A_554, %add3A_558] : memref<128x2xf32, #tpu.memory_space<vmem>>[vector<16xi32>, vector<16xi32>], vector<16xf32>,
        %gather3A_560 = tpu.vector_load_idx %arg25[%broadcast_in_dim3A_554, %iota3A] : memref<128x32xf32, #tpu.memory_space<vmem>>[vector<16xi32>, vector<16xi32>], vector<16xf32>,
        %add3A_561 = arith.constant 16 : i32
        %add3A_562 = vector.broadcast %add3A_561 : i32 to vector<16xi32>
        %add3A_563 = arith.addi %iota3A, %add3A_562 : vector<16xi32>
        %gather3A_564 = tpu.vector_load_idx %arg25[%broadcast_in_dim3A_554, %add3A_563] : memref<128x32xf32, #tpu.memory_space<vmem>>[vector<16xi32>, vector<16xi32>], vector<16xf32>,
        %mul3A_565 = arith.mulf %gather3A_560, %gather3A_555 : vector<16xf32>
        tpu.vector_store_idx %arg27[%broadcast_in_dim3A_554, %iota3A], %mul3A_565 : memref<128x32xf32, #tpu.memory_space<vmem>>[vector<16xi32>, vector<16xi32>], vector<16xf32>,
        %add3A_566 = arith.constant 16 : i32
        %add3A_567 = vector.broadcast %add3A_566 : i32 to vector<16xi32>
        %add3A_568 = arith.addi %iota3A, %add3A_567 : vector<16xi32>
        %mul3A_569 = arith.mulf %gather3A_564, %gather3A_559 : vector<16xf32>
        tpu.vector_store_idx %arg27[%broadcast_in_dim3A_554, %add3A_568], %mul3A_569 : memref<128x32xf32, #tpu.memory_space<vmem>>[vector<16xi32>, vector<16xi32>], vector<16xf32>,
      }
      %scan3A_349 = arith.constant 32 : i32
      %dma_start3A_350 = arith.constant 0 : i32
      %dma_start3A_351 = arith.constant 0 : i32
      %dma_start3A_352 = tpu.memref_slice %arg12[%dma_start3A_350, %dma_start3A_351] : memref<50176x32xf32, #tpu.memory_space<vmem_shared>> -> memref<50176x32xf32, #tpu.memory_space<vmem_shared>>
      tpu.enqueue_indirect_dma source(%arg27 : memref<128x32xf32, #tpu.memory_space<vmem>>) target(%dma_start3A_352 : memref<50176x32xf32, #tpu.memory_space<vmem_shared>>) offsets(%arg17 : memref<128xi32, #tpu.memory_space<vmem>>) semaphore(%arg30 : memref<!tpu.dma_semaphore, #tpu.memory_space<semaphore_mem>>) {add = true}
      %dma_start3A_353 = arith.constant 0 : i32
      %dma_start3A_354 = arith.constant 0 : i32
      %dma_start3A_355 = tpu.memref_slice %arg13[%dma_start3A_353, %dma_start3A_354] : memref<50176x2xf32, #tpu.memory_space<vmem_shared>> -> memref<50176x2xf32, #tpu.memory_space<vmem_shared>>
      tpu.enqueue_indirect_dma source(%arg26 : memref<128x2xf32, #tpu.memory_space<vmem>>) target(%dma_start3A_355 : memref<50176x2xf32, #tpu.memory_space<vmem_shared>>) offsets(%arg17 : memref<128xi32, #tpu.memory_space<vmem>>) semaphore(%arg30 : memref<!tpu.dma_semaphore, #tpu.memory_space<semaphore_mem>>) {add = true}
      %dma_wait3A_356 = arith.constant 0 : i32
      %dma_wait3A_357 = arith.constant 0 : i32
      %dma_wait3A_358 = tpu.memref_slice %arg12[%dma_wait3A_356, %dma_wait3A_357] : memref<50176x32xf32, #tpu.memory_space<vmem_shared>> -> memref<50176x32xf32, #tpu.memory_space<vmem_shared>>
      tpu.wait_indirect_dma semaphore(%arg30 : memref<!tpu.dma_semaphore, #tpu.memory_space<semaphore_mem>>) src(%arg27 : memref<128x32xf32, #tpu.memory_space<vmem>>) dst(%dma_wait3A_358 : memref<50176x32xf32, #tpu.memory_space<vmem_shared>>)
      %dma_wait3A_359 = arith.constant 0 : i32
      %dma_wait3A_360 = arith.constant 0 : i32
      %dma_wait3A_361 = tpu.memref_slice %arg13[%dma_wait3A_359, %dma_wait3A_360] : memref<50176x2xf32, #tpu.memory_space<vmem_shared>> -> memref<50176x2xf32, #tpu.memory_space<vmem_shared>>
      tpu.wait_indirect_dma semaphore(%arg30 : memref<!tpu.dma_semaphore, #tpu.memory_space<semaphore_mem>>) src(%arg26 : memref<128x2xf32, #tpu.memory_space<vmem>>) dst(%dma_wait3A_361 : memref<50176x2xf32, #tpu.memory_space<vmem_shared>>)
    }
    %scan3A_129 = arith.constant 196 : i32
    %dma_wait3A = arith.constant 0 : i32
    %dma_wait3A_130 = arith.constant 0 : i32
    %dma_wait3A_131 = tpu.memref_slice %arg4[%dma_wait3A, %dma_wait3A_130] : memref<50176x4xf32, #tpu.memory_space<hbm>> -> memref<50176x4xf32, #tpu.memory_space<hbm>>
    tpu.wait_indirect_dma semaphore(%arg28 : memref<!tpu.dma_semaphore, #tpu.memory_space<semaphore_mem>>) src(%dma_wait3A_131 : memref<50176x4xf32, #tpu.memory_space<hbm>>) dst(%arg20 : memref<128x4xf32, #tpu.memory_space<vmem>>)
    %dma_wait3A_132 = arith.constant 0 : i32
    %dma_wait3A_133 = arith.constant 0 : i32
    %dma_wait3A_134 = tpu.memref_slice %arg5[%dma_wait3A_132, %dma_wait3A_133] : memref<50176x4xf32, #tpu.memory_space<hbm>> -> memref<50176x4xf32, #tpu.memory_space<hbm>>
    tpu.wait_indirect_dma semaphore(%arg28 : memref<!tpu.dma_semaphore, #tpu.memory_space<semaphore_mem>>) src(%dma_wait3A_134 : memref<50176x4xf32, #tpu.memory_space<hbm>>) dst(%arg22 : memref<128x4xf32, #tpu.memory_space<vmem>>)
    %dma_wait3A_135 = arith.constant 0 : i32
    %dma_wait3A_136 = arith.constant 0 : i32
    %dma_wait3A_137 = tpu.memref_slice %arg6[%dma_wait3A_135, %dma_wait3A_136] : memref<100352x32xf32, #tpu.memory_space<hbm>> -> memref<100352x32xf32, #tpu.memory_space<hbm>>
    tpu.wait_indirect_dma semaphore(%arg28 : memref<!tpu.dma_semaphore, #tpu.memory_space<semaphore_mem>>) src(%dma_wait3A_137 : memref<100352x32xf32, #tpu.memory_space<hbm>>) dst(%arg24 : memref<128x32xf32, #tpu.memory_space<vmem>>)
    %barrier3A_138 = arith.constant 0 : index
    tpu.barrier barrier_id(%barrier3A_138)
    %scan3A_139 = arith.constant 0 : i32
    %scan3A_140 = arith.constant 0 : i32
    %scan3A_141 = arith.constant 4 : i32
    %scan3A_142 = arith.addi %scan3A_140, %scan3A_141 : i32
    %scan3A_143 = arith.constant 1 : i32
    scf.for %scan3A_145 = %scan3A_140 to %scan3A_142 step %scan3A_143  : i32 {
      %mul3A_146 = arith.constant 512 : i32
      %mul3A_147 = arith.muli %arg1, %mul3A_146 : i32
      %mul3A_148 = arith.constant 128 : i32
      %mul3A_149 = arith.muli %scan3A_145, %mul3A_148 : i32
      %add3A_150 = arith.addi %mul3A_147, %mul3A_149 : i32
      "tpu.region"() ({
        %run_scoped3A = tpu.sem_alloc : memref<!tpu.dma_semaphore, #tpu.memory_space<semaphore_mem>>
        %dma_start3A_169 = tpu.memref_slice %arg9[%add3A_150] : memref<8192xi32, #tpu.memory_space<hbm>> -> memref<128xi32, #tpu.memory_space<hbm>>
        %dma_start3A_170 = tpu.memref_slice %arg9[%add3A_150] : memref<8192xi32, #tpu.memory_space<hbm>> -> memref<128xi32, #tpu.memory_space<hbm>>
        tpu.enqueue_dma source(%dma_start3A_170 : memref<128xi32, #tpu.memory_space<hbm>>) target(%arg31 : memref<128xi32, #tpu.memory_space<vmem>>) target_semaphore(%run_scoped3A : memref<!tpu.dma_semaphore, #tpu.memory_space<semaphore_mem>>)
        %dma_wait3A_171 = tpu.memref_slice %arg9[%add3A_150] : memref<8192xi32, #tpu.memory_space<hbm>> -> memref<128xi32, #tpu.memory_space<hbm>>
        %dma_wait3A_172 = tpu.memref_slice %arg9[%add3A_150] : memref<8192xi32, #tpu.memory_space<hbm>> -> memref<128xi32, #tpu.memory_space<hbm>>
        tpu.wait_dma2 semaphore(%run_scoped3A : memref<!tpu.dma_semaphore, #tpu.memory_space<semaphore_mem>>) src(%dma_wait3A_172 : memref<128xi32, #tpu.memory_space<hbm>>) dst(%arg31 : memref<128xi32, #tpu.memory_space<vmem>>)
        tpu.yield
      }) : () -> ()
      %dma_start3A_151 = arith.constant 0 : i32
      %dma_start3A_152 = arith.constant 0 : i32
      %dma_start3A_153 = tpu.memref_slice %arg12[%dma_start3A_151, %dma_start3A_152] : memref<50176x32xf32, #tpu.memory_space<vmem_shared>> -> memref<50176x32xf32, #tpu.memory_space<vmem_shared>>
      tpu.enqueue_indirect_dma source(%dma_start3A_153 : memref<50176x32xf32, #tpu.memory_space<vmem_shared>>) target(%arg32 : memref<128x32xf32, #tpu.memory_space<vmem>>) offsets(%arg31 : memref<128xi32, #tpu.memory_space<vmem>>) semaphore(%arg34 : memref<!tpu.dma_semaphore, #tpu.memory_space<semaphore_mem>>)
      %dma_wait3A_154 = arith.constant 0 : i32
      %dma_wait3A_155 = arith.constant 0 : i32
      %dma_wait3A_156 = tpu.memref_slice %arg12[%dma_wait3A_154, %dma_wait3A_155] : memref<50176x32xf32, #tpu.memory_space<vmem_shared>> -> memref<50176x32xf32, #tpu.memory_space<vmem_shared>>
      tpu.wait_indirect_dma semaphore(%arg34 : memref<!tpu.dma_semaphore, #tpu.memory_space<semaphore_mem>>) src(%dma_wait3A_156 : memref<50176x32xf32, #tpu.memory_space<vmem_shared>>) dst(%arg32 : memref<128x32xf32, #tpu.memory_space<vmem>>)
      %dma_start3A_157 = arith.constant 0 : i32
      %dma_start3A_158 = arith.constant 0 : i32
      %dma_start3A_159 = tpu.memref_slice %arg13[%dma_start3A_157, %dma_start3A_158] : memref<50176x2xf32, #tpu.memory_space<vmem_shared>> -> memref<50176x2xf32, #tpu.memory_space<vmem_shared>>
      tpu.enqueue_indirect_dma source(%dma_start3A_159 : memref<50176x2xf32, #tpu.memory_space<vmem_shared>>) target(%arg33 : memref<128x2xf32, #tpu.memory_space<vmem>>) offsets(%arg31 : memref<128xi32, #tpu.memory_space<vmem>>) semaphore(%arg34 : memref<!tpu.dma_semaphore, #tpu.memory_space<semaphore_mem>>)
      %dma_wait3A_160 = arith.constant 0 : i32
      %dma_wait3A_161 = arith.constant 0 : i32
      %dma_wait3A_162 = tpu.memref_slice %arg13[%dma_wait3A_160, %dma_wait3A_161] : memref<50176x2xf32, #tpu.memory_space<vmem_shared>> -> memref<50176x2xf32, #tpu.memory_space<vmem_shared>>
      tpu.wait_indirect_dma semaphore(%arg34 : memref<!tpu.dma_semaphore, #tpu.memory_space<semaphore_mem>>) src(%dma_wait3A_162 : memref<50176x2xf32, #tpu.memory_space<vmem_shared>>) dst(%arg33 : memref<128x2xf32, #tpu.memory_space<vmem>>)
      %mul3A_163 = arith.constant 8192 : i32
      %mul3A_164 = arith.muli %arg0, %mul3A_163 : i32
      %add3A_165 = arith.addi %mul3A_164, %add3A_150 : i32
      "tpu.region"() ({
        %run_scoped3A = tpu.sem_alloc : memref<!tpu.dma_semaphore, #tpu.memory_space<semaphore_mem>>
        %dma_start3A_169 = arith.constant 0 : i32
        %dma_start3A_170 = tpu.memref_slice %arg10[%add3A_165, %dma_start3A_169] : memref<16384x32xf32, #tpu.memory_space<hbm>> -> memref<128x32xf32, #tpu.memory_space<hbm>>
        %dma_start3A_171 = arith.constant 0 : i32
        %dma_start3A_172 = tpu.memref_slice %arg10[%add3A_165, %dma_start3A_171] : memref<16384x32xf32, #tpu.memory_space<hbm>> -> memref<128x32xf32, #tpu.memory_space<hbm>>
        tpu.enqueue_dma source(%arg32 : memref<128x32xf32, #tpu.memory_space<vmem>>) target(%dma_start3A_172 : memref<128x32xf32, #tpu.memory_space<hbm>>) target_semaphore(%run_scoped3A : memref<!tpu.dma_semaphore, #tpu.memory_space<semaphore_mem>>)
        %dma_wait3A_173 = arith.constant 0 : i32
        %dma_wait3A_174 = tpu.memref_slice %arg10[%add3A_165, %dma_wait3A_173] : memref<16384x32xf32, #tpu.memory_space<hbm>> -> memref<128x32xf32, #tpu.memory_space<hbm>>
        %dma_wait3A_175 = arith.constant 0 : i32
        %dma_wait3A_176 = tpu.memref_slice %arg10[%add3A_165, %dma_wait3A_175] : memref<16384x32xf32, #tpu.memory_space<hbm>> -> memref<128x32xf32, #tpu.memory_space<hbm>>
        tpu.wait_dma2 semaphore(%run_scoped3A : memref<!tpu.dma_semaphore, #tpu.memory_space<semaphore_mem>>) src(%arg32 : memref<128x32xf32, #tpu.memory_space<vmem>>) dst(%dma_wait3A_176 : memref<128x32xf32, #tpu.memory_space<hbm>>)
        tpu.yield
      }) : () -> ()
      %mul3A_166 = arith.constant 8192 : i32
      %mul3A_167 = arith.muli %arg0, %mul3A_166 : i32
      %add3A_168 = arith.addi %mul3A_167, %add3A_150 : i32
      "tpu.region"() ({
        %run_scoped3A = tpu.sem_alloc : memref<!tpu.dma_semaphore, #tpu.memory_space<semaphore_mem>>
        %dma_start3A_169 = arith.constant 0 : i32
        %dma_start3A_170 = tpu.memref_slice %arg11[%add3A_168, %dma_start3A_169] : memref<16384x2xf32, #tpu.memory_space<hbm>> -> memref<128x2xf32, #tpu.memory_space<hbm>>
        %dma_start3A_171 = arith.constant 0 : i32
        %dma_start3A_172 = tpu.memref_slice %arg11[%add3A_168, %dma_start3A_171] : memref<16384x2xf32, #tpu.memory_space<hbm>> -> memref<128x2xf32, #tpu.memory_space<hbm>>
        tpu.enqueue_dma source(%arg33 : memref<128x2xf32, #tpu.memory_space<vmem>>) target(%dma_start3A_172 : memref<128x2xf32, #tpu.memory_space<hbm>>) target_semaphore(%run_scoped3A : memref<!tpu.dma_semaphore, #tpu.memory_space<semaphore_mem>>)
        %dma_wait3A_173 = arith.constant 0 : i32
        %dma_wait3A_174 = tpu.memref_slice %arg11[%add3A_168, %dma_wait3A_173] : memref<16384x2xf32, #tpu.memory_space<hbm>> -> memref<128x2xf32, #tpu.memory_space<hbm>>
        %dma_wait3A_175 = arith.constant 0 : i32
        %dma_wait3A_176 = tpu.memref_slice %arg11[%add3A_168, %dma_wait3A_175] : memref<16384x2xf32, #tpu.memory_space<hbm>> -> memref<128x2xf32, #tpu.memory_space<hbm>>
        tpu.wait_dma2 semaphore(%run_scoped3A : memref<!tpu.dma_semaphore, #tpu.memory_space<semaphore_mem>>) src(%arg33 : memref<128x2xf32, #tpu.memory_space<vmem>>) dst(%dma_wait3A_176 : memref<128x2xf32, #tpu.memory_space<hbm>>)
        tpu.yield
      }) : () -> ()
    }
    %scan3A_144 = arith.constant 4 : i32
    return
  }
}

module attributes {stable_mosaic.version = 14 : i64} {
  func.func @_prep_body(%arg0: i32, %arg1: memref<1024x7xf32, #tpu.memory_space<vmem>>, %arg2: memref<7x64xf32, #tpu.memory_space<vmem>>, %arg3: memref<1x64xf32, #tpu.memory_space<vmem>>, %arg4: memref<1x64xf32, #tpu.memory_space<vmem>>, %arg5: memref<2x1024x32xf32, #tpu.memory_space<vmem>>, %arg6: memref<1024x4xf32, #tpu.memory_space<vmem>>, %arg7: memref<1024x4xf32, #tpu.memory_space<vmem>>, %arg8: memref<2x1024x2xf32, #tpu.memory_space<vmem>>, %arg9: memref<2x1024x32xf32, #tpu.memory_space<vmem>>) attributes {dimension_semantics = [#tpu.dimension_semantics<arbitrary>], iteration_bounds = array<i64: 49>, scalar_prefetch = 0 : i64, scratch_operands = 0 : i64, tpu.core_type = #tpu.core_type<tc>, window_params = [{transform_indices = @transform_0, window_bounds = array<i64: 1024, 7>}, {pipeline_mode = #tpu.pipeline_mode<synchronous>, transform_indices = @transform_1, window_bounds = array<i64: 7, 64>}, {pipeline_mode = #tpu.pipeline_mode<synchronous>, transform_indices = @transform_2, window_bounds = array<i64: 1, 64>}, {pipeline_mode = #tpu.pipeline_mode<synchronous>, transform_indices = @transform_3, window_bounds = array<i64: 1, 64>}, {transform_indices = @transform_4, window_bounds = array<i64: 2, 1024, 32>}, {transform_indices = @transform_5, window_bounds = array<i64: 1024, 4>}, {transform_indices = @transform_6, window_bounds = array<i64: 1024, 4>}, {transform_indices = @transform_7, window_bounds = array<i64: 2, 1024, 2>}, {transform_indices = @transform_8, window_bounds = array<i64: 2, 1024, 32>}]} {
    %iota3A = tpu.iota {dimensions = array<i32: 0>} : vector<64x4xi32>
    %iota3A_0 = tpu.iota {dimensions = array<i32: 1>} : vector<64x4xi32>
    %jit3A = arith.constant 16 : i32
    %div3A = vector.broadcast %jit3A : i32 to vector<64x4xi32>
    %div3A_1 = arith.divsi %iota3A, %div3A : vector<64x4xi32>
    %sign3A = arith.constant 0 : i32
    %sign3A_2 = vector.broadcast %sign3A : i32 to vector<64x4xi32>
    %sign3A_3 = arith.cmpi sgt, %iota3A, %sign3A_2 : vector<64x4xi32>
    %sign3A_4 = arith.extui %sign3A_3 : vector<64x4xi1> to vector<64x4xi32>
    %sign3A_5 = arith.constant 0 : i32
    %sign3A_6 = vector.broadcast %sign3A_5 : i32 to vector<64x4xi32>
    %sign3A_7 = arith.cmpi slt, %iota3A, %sign3A_6 : vector<64x4xi32>
    %sign3A_8 = arith.extui %sign3A_7 : vector<64x4xi1> to vector<64x4xi32>
    %sign3A_9 = arith.subi %sign3A_4, %sign3A_8 : vector<64x4xi32>
    %sign3A_10 = arith.constant 0 : i32
    %sign3A_11 = arith.cmpi sgt, %jit3A, %sign3A_10 : i32
    %sign3A_12 = arith.extui %sign3A_11 : i1 to i32
    %sign3A_13 = arith.constant 0 : i32
    %sign3A_14 = arith.cmpi slt, %jit3A, %sign3A_13 : i32
    %sign3A_15 = arith.extui %sign3A_14 : i1 to i32
    %sign3A_16 = arith.subi %sign3A_12, %sign3A_15 : i32
    %ne3A = vector.broadcast %sign3A_16 : i32 to vector<64x4xi32>
    %ne3A_17 = arith.cmpi ne, %sign3A_9, %ne3A : vector<64x4xi32>
    %rem3A = vector.broadcast %jit3A : i32 to vector<64x4xi32>
    %rem3A_18 = arith.remsi %iota3A, %rem3A : vector<64x4xi32>
    %ne3A_19 = arith.constant 0 : i32
    %ne3A_20 = vector.broadcast %ne3A_19 : i32 to vector<64x4xi32>
    %ne3A_21 = arith.cmpi ne, %rem3A_18, %ne3A_20 : vector<64x4xi32>
    %and3A = arith.andi %ne3A_17, %ne3A_21 : vector<64x4xi1>
    %sub3A = arith.constant 1 : i32
    %sub3A_22 = vector.broadcast %sub3A : i32 to vector<64x4xi32>
    %sub3A_23 = arith.subi %div3A_1, %sub3A_22 : vector<64x4xi32>
    %select_n3A = arith.select %and3A, %sub3A_23, %div3A_1 : vector<64x4xi1>, vector<64x4xi32>
    %eq3A = arith.cmpi eq, %select_n3A, %iota3A_0 : vector<64x4xi32>
    %convert_element_type3A = arith.extui %eq3A : vector<64x4xi1> to vector<64x4xi32>
    %convert_element_type3A_24 = arith.sitofp %convert_element_type3A : vector<64x4xi32> to vector<64x4xf32>
    %get3A = arith.constant 0 : index
    %get3A_25 = arith.constant 0 : index
    %get3A_26 = vector.load %arg1[%get3A, %get3A_25] : memref<1024x7xf32, #tpu.memory_space<vmem>>, vector<1024x7xf32>
    %get3A_27 = arith.constant 0 : index
    %get3A_28 = arith.constant 0 : index
    %get3A_29 = vector.load %arg2[%get3A_27, %get3A_28] : memref<7x64xf32, #tpu.memory_space<vmem>>, vector<7x64xf32>
    %dot_general3A = arith.constant dense<0.000000e+00> : vector<1024x64xf32>
    %dot_general3A_30 = tpu.matmul %get3A_26, %get3A_29, %dot_general3A {dimension_numbers = #tpu.dot_dimension_numbers<[1], [0], [0], [1], [0, 0, 1, 1], [], []>, transpose_lhs_hint = false} : vector<1024x7xf32>, vector<7x64xf32>, vector<1024x64xf32> -> vector<1024x64xf32>
    %get3A_31 = arith.constant 0 : index
    %get3A_32 = arith.constant 0 : index
    %get3A_33 = vector.load %arg3[%get3A_31, %get3A_32] : memref<1x64xf32, #tpu.memory_space<vmem>>, vector<1x64xf32>
    %mul3A = vector.broadcast %get3A_33 : vector<1x64xf32> to vector<1024x64xf32>
    %mul3A_34 = arith.mulf %dot_general3A_30, %mul3A : vector<1024x64xf32>
    %dot_general3A_35 = arith.constant dense<0.000000e+00> : vector<1024x4xf32>
    %dot_general3A_36 = tpu.matmul %mul3A_34, %convert_element_type3A_24, %dot_general3A_35 {dimension_numbers = #tpu.dot_dimension_numbers<[1], [0], [0], [1], [0, 0, 1, 1], [], []>, transpose_lhs_hint = false} : vector<1024x64xf32>, vector<64x4xf32>, vector<1024x4xf32> -> vector<1024x4xf32>
    %get3A_37 = arith.constant 0 : index
    %get3A_38 = arith.constant 0 : index
    %get3A_39 = vector.load %arg4[%get3A_37, %get3A_38] : memref<1x64xf32, #tpu.memory_space<vmem>>, vector<1x64xf32>
    %mul3A_40 = vector.broadcast %get3A_39 : vector<1x64xf32> to vector<1024x64xf32>
    %mul3A_41 = arith.mulf %dot_general3A_30, %mul3A_40 : vector<1024x64xf32>
    %dot_general3A_42 = arith.constant dense<0.000000e+00> : vector<1024x4xf32>
    %dot_general3A_43 = tpu.matmul %mul3A_41, %convert_element_type3A_24, %dot_general3A_42 {dimension_numbers = #tpu.dot_dimension_numbers<[1], [0], [0], [1], [0, 0, 1, 1], [], []>, transpose_lhs_hint = false} : vector<1024x64xf32>, vector<64x4xf32>, vector<1024x4xf32> -> vector<1024x4xf32>
    %add3A = arith.addf %dot_general3A_36, %dot_general3A_43 : vector<1024x4xf32>
    %mul3A_44 = arith.constant 2.000000e-01 : f32
    %mul3A_45 = vector.broadcast %mul3A_44 : f32 to vector<1024x4xf32>
    %mul3A_46 = arith.mulf %mul3A_45, %add3A : vector<1024x4xf32>
    %max3A = arith.maximumf %add3A, %mul3A_46 : vector<1024x4xf32>
    %exp3A = math.exp %max3A : vector<1024x4xf32>
    %transpose3A = tpu.transpose %convert_element_type3A_24, [1, 0] : vector<64x4xf32> -> vector<4x64xf32>
    %dot_general3A_47 = arith.constant dense<0.000000e+00> : vector<1024x64xf32>
    %dot_general3A_48 = tpu.matmul %exp3A, %transpose3A, %dot_general3A_47 {dimension_numbers = #tpu.dot_dimension_numbers<[1], [0], [0], [1], [0, 0, 1, 1], [], []>, transpose_lhs_hint = false} : vector<1024x4xf32>, vector<4x64xf32>, vector<1024x64xf32> -> vector<1024x64xf32>
    %mul3A_49 = arith.mulf %dot_general3A_30, %dot_general3A_48 : vector<1024x64xf32>
    %slice3A = vector.extract_strided_slice %dot_general3A_30 {offsets = [0, 0], sizes = [1024, 32], strides = [1, 1]} : vector<1024x64xf32> to vector<1024x32xf32>
    %swap3A = arith.constant 0 : index
    %swap3A_50 = arith.constant 0 : index
    %swap3A_51 = arith.constant 0 : index
    %swap3A_52 = vector.load %arg5[%swap3A, %swap3A_50, %swap3A_51] : memref<2x1024x32xf32, #tpu.memory_space<vmem>>, vector<1x1024x32xf32>
    %swap3A_53 = vector.shape_cast %swap3A_52 : vector<1x1024x32xf32> to vector<1024x32xf32>
    %swap3A_54 = vector.shape_cast %slice3A : vector<1024x32xf32> to vector<1x1024x32xf32>
    tpu.vector_store %arg5[%swap3A, %swap3A_50, %swap3A_51], %swap3A_54 {strides = array<i32>} : memref<2x1024x32xf32, #tpu.memory_space<vmem>>, vector<1x1024x32xf32>,
    %slice3A_55 = vector.extract_strided_slice %dot_general3A_30 {offsets = [0, 32], sizes = [1024, 32], strides = [1, 1]} : vector<1024x64xf32> to vector<1024x32xf32>
    %swap3A_56 = arith.constant 1 : index
    %swap3A_57 = arith.constant 0 : index
    %swap3A_58 = arith.constant 0 : index
    %swap3A_59 = vector.load %arg5[%swap3A_56, %swap3A_57, %swap3A_58] : memref<2x1024x32xf32, #tpu.memory_space<vmem>>, vector<1x1024x32xf32>
    %swap3A_60 = vector.shape_cast %swap3A_59 : vector<1x1024x32xf32> to vector<1024x32xf32>
    %swap3A_61 = vector.shape_cast %slice3A_55 : vector<1024x32xf32> to vector<1x1024x32xf32>
    tpu.vector_store %arg5[%swap3A_56, %swap3A_57, %swap3A_58], %swap3A_61 {strides = array<i32>} : memref<2x1024x32xf32, #tpu.memory_space<vmem>>, vector<1x1024x32xf32>,
    %swap3A_62 = arith.constant 0 : index
    %swap3A_63 = arith.constant 0 : index
    %swap3A_64 = vector.load %arg6[%swap3A_62, %swap3A_63] : memref<1024x4xf32, #tpu.memory_space<vmem>>, vector<1024x4xf32>
    tpu.vector_store %arg6[%swap3A_62, %swap3A_63], %dot_general3A_36 {strides = array<i32>} : memref<1024x4xf32, #tpu.memory_space<vmem>>, vector<1024x4xf32>,
    %swap3A_65 = arith.constant 0 : index
    %swap3A_66 = arith.constant 0 : index
    %swap3A_67 = vector.load %arg7[%swap3A_65, %swap3A_66] : memref<1024x4xf32, #tpu.memory_space<vmem>>, vector<1024x4xf32>
    tpu.vector_store %arg7[%swap3A_65, %swap3A_66], %dot_general3A_43 {strides = array<i32>} : memref<1024x4xf32, #tpu.memory_space<vmem>>, vector<1024x4xf32>,
    %slice3A_68 = vector.extract_strided_slice %exp3A {offsets = [0, 0], sizes = [1024, 2], strides = [1, 1]} : vector<1024x4xf32> to vector<1024x2xf32>
    %swap3A_69 = arith.constant 0 : index
    %swap3A_70 = arith.constant 0 : index
    %swap3A_71 = arith.constant 0 : index
    %swap3A_72 = vector.load %arg8[%swap3A_69, %swap3A_70, %swap3A_71] : memref<2x1024x2xf32, #tpu.memory_space<vmem>>, vector<1x1024x2xf32>
    %swap3A_73 = vector.shape_cast %swap3A_72 : vector<1x1024x2xf32> to vector<1024x2xf32>
    %swap3A_74 = vector.shape_cast %slice3A_68 : vector<1024x2xf32> to vector<1x1024x2xf32>
    tpu.vector_store %arg8[%swap3A_69, %swap3A_70, %swap3A_71], %swap3A_74 {strides = array<i32>} : memref<2x1024x2xf32, #tpu.memory_space<vmem>>, vector<1x1024x2xf32>,
    %slice3A_75 = vector.extract_strided_slice %exp3A {offsets = [0, 2], sizes = [1024, 2], strides = [1, 1]} : vector<1024x4xf32> to vector<1024x2xf32>
    %swap3A_76 = arith.constant 1 : index
    %swap3A_77 = arith.constant 0 : index
    %swap3A_78 = arith.constant 0 : index
    %swap3A_79 = vector.load %arg8[%swap3A_76, %swap3A_77, %swap3A_78] : memref<2x1024x2xf32, #tpu.memory_space<vmem>>, vector<1x1024x2xf32>
    %swap3A_80 = vector.shape_cast %swap3A_79 : vector<1x1024x2xf32> to vector<1024x2xf32>
    %swap3A_81 = vector.shape_cast %slice3A_75 : vector<1024x2xf32> to vector<1x1024x2xf32>
    tpu.vector_store %arg8[%swap3A_76, %swap3A_77, %swap3A_78], %swap3A_81 {strides = array<i32>} : memref<2x1024x2xf32, #tpu.memory_space<vmem>>, vector<1x1024x2xf32>,
    %slice3A_82 = vector.extract_strided_slice %mul3A_49 {offsets = [0, 0], sizes = [1024, 32], strides = [1, 1]} : vector<1024x64xf32> to vector<1024x32xf32>
    %swap3A_83 = arith.constant 0 : index
    %swap3A_84 = arith.constant 0 : index
    %swap3A_85 = arith.constant 0 : index
    %swap3A_86 = vector.load %arg9[%swap3A_83, %swap3A_84, %swap3A_85] : memref<2x1024x32xf32, #tpu.memory_space<vmem>>, vector<1x1024x32xf32>
    %swap3A_87 = vector.shape_cast %swap3A_86 : vector<1x1024x32xf32> to vector<1024x32xf32>
    %swap3A_88 = vector.shape_cast %slice3A_82 : vector<1024x32xf32> to vector<1x1024x32xf32>
    tpu.vector_store %arg9[%swap3A_83, %swap3A_84, %swap3A_85], %swap3A_88 {strides = array<i32>} : memref<2x1024x32xf32, #tpu.memory_space<vmem>>, vector<1x1024x32xf32>,
    %slice3A_89 = vector.extract_strided_slice %mul3A_49 {offsets = [0, 32], sizes = [1024, 32], strides = [1, 1]} : vector<1024x64xf32> to vector<1024x32xf32>
    %swap3A_90 = arith.constant 1 : index
    %swap3A_91 = arith.constant 0 : index
    %swap3A_92 = arith.constant 0 : index
    %swap3A_93 = vector.load %arg9[%swap3A_90, %swap3A_91, %swap3A_92] : memref<2x1024x32xf32, #tpu.memory_space<vmem>>, vector<1x1024x32xf32>
    %swap3A_94 = vector.shape_cast %swap3A_93 : vector<1x1024x32xf32> to vector<1024x32xf32>
    %swap3A_95 = vector.shape_cast %slice3A_89 : vector<1024x32xf32> to vector<1x1024x32xf32>
    tpu.vector_store %arg9[%swap3A_90, %swap3A_91, %swap3A_92], %swap3A_95 {strides = array<i32>} : memref<2x1024x32xf32, #tpu.memory_space<vmem>>, vector<1x1024x32xf32>,
    return
  }
  func.func @transform_0(%arg0: i32) -> (i32, i32) {
    %c0_i32 = arith.constant 0 : i32
    %c0_i32_0 = arith.constant 0 : i32
    return %arg0, %c0_i32 : i32, i32
  }
  func.func @transform_1(%arg0: i32) -> (i32, i32) {
    %c0_i32 = arith.constant 0 : i32
    %c0_i32_0 = arith.constant 0 : i32
    %c0_i32_1 = arith.constant 0 : i32
    return %c0_i32, %c0_i32_0 : i32, i32
  }
  func.func @transform_2(%arg0: i32) -> (i32, i32) {
    %c0_i32 = arith.constant 0 : i32
    %c0_i32_0 = arith.constant 0 : i32
    %c0_i32_1 = arith.constant 0 : i32
    return %c0_i32, %c0_i32_0 : i32, i32
  }
  func.func @transform_3(%arg0: i32) -> (i32, i32) {
    %c0_i32 = arith.constant 0 : i32
    %c0_i32_0 = arith.constant 0 : i32
    %c0_i32_1 = arith.constant 0 : i32
    return %c0_i32, %c0_i32_0 : i32, i32
  }
  func.func @transform_4(%arg0: i32) -> (i32, i32, i32) {
    %c0_i32 = arith.constant 0 : i32
    %c0_i32_0 = arith.constant 0 : i32
    %c0_i32_1 = arith.constant 0 : i32
    return %c0_i32, %arg0, %c0_i32_0 : i32, i32, i32
  }
  func.func @transform_5(%arg0: i32) -> (i32, i32) {
    %c0_i32 = arith.constant 0 : i32
    %c0_i32_0 = arith.constant 0 : i32
    return %arg0, %c0_i32 : i32, i32
  }
  func.func @transform_6(%arg0: i32) -> (i32, i32) {
    %c0_i32 = arith.constant 0 : i32
    %c0_i32_0 = arith.constant 0 : i32
    return %arg0, %c0_i32 : i32, i32
  }
  func.func @transform_7(%arg0: i32) -> (i32, i32, i32) {
    %c0_i32 = arith.constant 0 : i32
    %c0_i32_0 = arith.constant 0 : i32
    %c0_i32_1 = arith.constant 0 : i32
    return %c0_i32, %arg0, %c0_i32_0 : i32, i32, i32
  }
  func.func @transform_8(%arg0: i32) -> (i32, i32, i32) {
    %c0_i32 = arith.constant 0 : i32
    %c0_i32_0 = arith.constant 0 : i32
    %c0_i32_1 = arith.constant 0 : i32
    return %c0_i32, %arg0, %c0_i32_0 : i32, i32, i32
  }
}

module attributes {stable_mosaic.version = 14 : i64} {
  func.func @_finish_body(%arg0: i32, %arg1: memref<1024x64xf32, #tpu.memory_space<vmem>>, %arg2: memref<1024x4xf32, #tpu.memory_space<vmem>>, %arg3: memref<1x64xf32, #tpu.memory_space<vmem>>, %arg4: memref<1x64xf32, #tpu.memory_space<vmem>>, %arg5: memref<1x64xf32, #tpu.memory_space<vmem>>, %arg6: memref<64x7xf32, #tpu.memory_space<vmem>>, %arg7: memref<1x7xf32, #tpu.memory_space<vmem>>, %arg8: memref<1024x7xf32, #tpu.memory_space<vmem>>) attributes {dimension_semantics = [#tpu.dimension_semantics<arbitrary>], iteration_bounds = array<i64: 8>, scalar_prefetch = 0 : i64, scratch_operands = 0 : i64, tpu.core_type = #tpu.core_type<tc>, window_params = [{transform_indices = @transform_0, window_bounds = array<i64: 1024, 64>}, {transform_indices = @transform_1, window_bounds = array<i64: 1024, 4>}, {pipeline_mode = #tpu.pipeline_mode<synchronous>, transform_indices = @transform_2, window_bounds = array<i64: 1, 64>}, {pipeline_mode = #tpu.pipeline_mode<synchronous>, transform_indices = @transform_3, window_bounds = array<i64: 1, 64>}, {pipeline_mode = #tpu.pipeline_mode<synchronous>, transform_indices = @transform_4, window_bounds = array<i64: 1, 64>}, {pipeline_mode = #tpu.pipeline_mode<synchronous>, transform_indices = @transform_5, window_bounds = array<i64: 64, 7>}, {pipeline_mode = #tpu.pipeline_mode<synchronous>, transform_indices = @transform_6, window_bounds = array<i64: 1, 7>}, {transform_indices = @transform_7, window_bounds = array<i64: 1024, 7>}]} {
    %iota3A = tpu.iota {dimensions = array<i32: 0>} : vector<64x4xi32>
    %iota3A_0 = tpu.iota {dimensions = array<i32: 1>} : vector<64x4xi32>
    %jit3A = arith.constant 16 : i32
    %div3A = vector.broadcast %jit3A : i32 to vector<64x4xi32>
    %div3A_1 = arith.divsi %iota3A, %div3A : vector<64x4xi32>
    %sign3A = arith.constant 0 : i32
    %sign3A_2 = vector.broadcast %sign3A : i32 to vector<64x4xi32>
    %sign3A_3 = arith.cmpi sgt, %iota3A, %sign3A_2 : vector<64x4xi32>
    %sign3A_4 = arith.extui %sign3A_3 : vector<64x4xi1> to vector<64x4xi32>
    %sign3A_5 = arith.constant 0 : i32
    %sign3A_6 = vector.broadcast %sign3A_5 : i32 to vector<64x4xi32>
    %sign3A_7 = arith.cmpi slt, %iota3A, %sign3A_6 : vector<64x4xi32>
    %sign3A_8 = arith.extui %sign3A_7 : vector<64x4xi1> to vector<64x4xi32>
    %sign3A_9 = arith.subi %sign3A_4, %sign3A_8 : vector<64x4xi32>
    %sign3A_10 = arith.constant 0 : i32
    %sign3A_11 = arith.cmpi sgt, %jit3A, %sign3A_10 : i32
    %sign3A_12 = arith.extui %sign3A_11 : i1 to i32
    %sign3A_13 = arith.constant 0 : i32
    %sign3A_14 = arith.cmpi slt, %jit3A, %sign3A_13 : i32
    %sign3A_15 = arith.extui %sign3A_14 : i1 to i32
    %sign3A_16 = arith.subi %sign3A_12, %sign3A_15 : i32
    %ne3A = vector.broadcast %sign3A_16 : i32 to vector<64x4xi32>
    %ne3A_17 = arith.cmpi ne, %sign3A_9, %ne3A : vector<64x4xi32>
    %rem3A = vector.broadcast %jit3A : i32 to vector<64x4xi32>
    %rem3A_18 = arith.remsi %iota3A, %rem3A : vector<64x4xi32>
    %ne3A_19 = arith.constant 0 : i32
    %ne3A_20 = vector.broadcast %ne3A_19 : i32 to vector<64x4xi32>
    %ne3A_21 = arith.cmpi ne, %rem3A_18, %ne3A_20 : vector<64x4xi32>
    %and3A = arith.andi %ne3A_17, %ne3A_21 : vector<64x4xi1>
    %sub3A = arith.constant 1 : i32
    %sub3A_22 = vector.broadcast %sub3A : i32 to vector<64x4xi32>
    %sub3A_23 = arith.subi %div3A_1, %sub3A_22 : vector<64x4xi32>
    %select_n3A = arith.select %and3A, %sub3A_23, %div3A_1 : vector<64x4xi1>, vector<64x4xi32>
    %eq3A = arith.cmpi eq, %select_n3A, %iota3A_0 : vector<64x4xi32>
    %convert_element_type3A = arith.extui %eq3A : vector<64x4xi1> to vector<64x4xi32>
    %convert_element_type3A_24 = arith.sitofp %convert_element_type3A : vector<64x4xi32> to vector<64x4xf32>
    %get3A = arith.constant 0 : index
    %get3A_25 = arith.constant 0 : index
    %get3A_26 = vector.load %arg2[%get3A, %get3A_25] : memref<1024x4xf32, #tpu.memory_space<vmem>>, vector<1024x4xf32>
    %add3A = arith.constant 1.000000e-16 : f32
    %add3A_27 = vector.broadcast %add3A : f32 to vector<1024x4xf32>
    %add3A_28 = arith.addf %get3A_26, %add3A_27 : vector<1024x4xf32>
    %transpose3A = tpu.transpose %convert_element_type3A_24, [1, 0] : vector<64x4xf32> -> vector<4x64xf32>
    %dot_general3A = arith.constant dense<0.000000e+00> : vector<1024x64xf32>
    %dot_general3A_29 = tpu.matmul %add3A_28, %transpose3A, %dot_general3A {dimension_numbers = #tpu.dot_dimension_numbers<[1], [0], [0], [1], [0, 0, 1, 1], [], []>, transpose_lhs_hint = false} : vector<1024x4xf32>, vector<4x64xf32>, vector<1024x64xf32> -> vector<1024x64xf32>
    %get3A_30 = arith.constant 0 : index
    %get3A_31 = arith.constant 0 : index
    %get3A_32 = vector.load %arg1[%get3A_30, %get3A_31] : memref<1024x64xf32, #tpu.memory_space<vmem>>, vector<1024x64xf32>
    %div3A_33 = arith.divf %get3A_32, %dot_general3A_29 : vector<1024x64xf32>
    %get3A_34 = arith.constant 0 : index
    %get3A_35 = arith.constant 0 : index
    %get3A_36 = vector.load %arg3[%get3A_34, %get3A_35] : memref<1x64xf32, #tpu.memory_space<vmem>>, vector<1x64xf32>
    %add3A_37 = vector.broadcast %get3A_36 : vector<1x64xf32> to vector<1024x64xf32>
    %add3A_38 = arith.addf %div3A_33, %add3A_37 : vector<1024x64xf32>
    %reduce_sum3A = arith.constant dense<0.000000e+00> : vector<1024xf32>
    %reduce_sum3A_39 = vector.multi_reduction <add>, %add3A_38, %reduce_sum3A [1] : vector<1024x64xf32> to vector<1024xf32>
    %broadcast_in_dim3A = vector.shape_cast %reduce_sum3A_39 : vector<1024xf32> to vector<1024x1xf32>
    %div3A_40 = arith.constant 6.400000e+01 : f32
    %div3A_41 = vector.broadcast %div3A_40 : f32 to vector<1024x1xf32>
    %div3A_42 = arith.divf %broadcast_in_dim3A, %div3A_41 : vector<1024x1xf32>
    %sub3A_43 = vector.broadcast %div3A_42 : vector<1024x1xf32> to vector<1024x64xf32>
    %sub3A_44 = arith.subf %add3A_38, %sub3A_43 : vector<1024x64xf32>
    %mul3A = arith.mulf %sub3A_44, %sub3A_44 : vector<1024x64xf32>
    %reduce_sum3A_45 = arith.constant dense<0.000000e+00> : vector<1024xf32>
    %reduce_sum3A_46 = vector.multi_reduction <add>, %mul3A, %reduce_sum3A_45 [1] : vector<1024x64xf32> to vector<1024xf32>
    %broadcast_in_dim3A_47 = vector.shape_cast %reduce_sum3A_46 : vector<1024xf32> to vector<1024x1xf32>
    %div3A_48 = arith.constant 6.400000e+01 : f32
    %div3A_49 = vector.broadcast %div3A_48 : f32 to vector<1024x1xf32>
    %div3A_50 = arith.divf %broadcast_in_dim3A_47, %div3A_49 : vector<1024x1xf32>
    %add3A_51 = arith.constant 9.99999974E-6 : f32
    %add3A_52 = vector.broadcast %add3A_51 : f32 to vector<1024x1xf32>
    %add3A_53 = arith.addf %div3A_50, %add3A_52 : vector<1024x1xf32>
    %sqrt3A = math.sqrt %add3A_53 : vector<1024x1xf32>
    %div3A_54 = vector.broadcast %sqrt3A : vector<1024x1xf32> to vector<1024x64xf32>
    %div3A_55 = arith.divf %sub3A_44, %div3A_54 : vector<1024x64xf32>
    %get3A_56 = arith.constant 0 : index
    %get3A_57 = arith.constant 0 : index
    %get3A_58 = vector.load %arg4[%get3A_56, %get3A_57] : memref<1x64xf32, #tpu.memory_space<vmem>>, vector<1x64xf32>
    %mul3A_59 = vector.broadcast %get3A_58 : vector<1x64xf32> to vector<1024x64xf32>
    %mul3A_60 = arith.mulf %div3A_55, %mul3A_59 : vector<1024x64xf32>
    %get3A_61 = arith.constant 0 : index
    %get3A_62 = arith.constant 0 : index
    %get3A_63 = vector.load %arg5[%get3A_61, %get3A_62] : memref<1x64xf32, #tpu.memory_space<vmem>>, vector<1x64xf32>
    %add3A_64 = vector.broadcast %get3A_63 : vector<1x64xf32> to vector<1024x64xf32>
    %add3A_65 = arith.addf %mul3A_60, %add3A_64 : vector<1024x64xf32>
    %get3A_66 = arith.constant 0 : index
    %get3A_67 = arith.constant 0 : index
    %get3A_68 = vector.load %arg6[%get3A_66, %get3A_67] : memref<64x7xf32, #tpu.memory_space<vmem>>, vector<64x7xf32>
    %dot_general3A_69 = arith.constant dense<0.000000e+00> : vector<1024x7xf32>
    %dot_general3A_70 = tpu.matmul %add3A_65, %get3A_68, %dot_general3A_69 {dimension_numbers = #tpu.dot_dimension_numbers<[1], [0], [0], [1], [0, 0, 1, 1], [], []>, transpose_lhs_hint = false} : vector<1024x64xf32>, vector<64x7xf32>, vector<1024x7xf32> -> vector<1024x7xf32>
    %get3A_71 = arith.constant 0 : index
    %get3A_72 = arith.constant 0 : index
    %get3A_73 = vector.load %arg7[%get3A_71, %get3A_72] : memref<1x7xf32, #tpu.memory_space<vmem>>, vector<1x7xf32>
    %add3A_74 = vector.broadcast %get3A_73 : vector<1x7xf32> to vector<1024x7xf32>
    %add3A_75 = arith.addf %dot_general3A_70, %add3A_74 : vector<1024x7xf32>
    %reduce_max3A = arith.constant dense<0xFF800000> : vector<1024xf32>
    %reduce_max3A_76 = vector.multi_reduction <maximumf>, %add3A_75, %reduce_max3A [1] : vector<1024x7xf32> to vector<1024xf32>
    %broadcast_in_dim3A_77 = vector.shape_cast %reduce_max3A_76 : vector<1024xf32> to vector<1024x1xf32>
    %sub3A_78 = vector.broadcast %broadcast_in_dim3A_77 : vector<1024x1xf32> to vector<1024x7xf32>
    %sub3A_79 = arith.subf %add3A_75, %sub3A_78 : vector<1024x7xf32>
    %exp3A = math.exp %sub3A_79 : vector<1024x7xf32>
    %reduce_sum3A_80 = arith.constant dense<0.000000e+00> : vector<1024xf32>
    %reduce_sum3A_81 = vector.multi_reduction <add>, %exp3A, %reduce_sum3A_80 [1] : vector<1024x7xf32> to vector<1024xf32>
    %broadcast_in_dim3A_82 = vector.shape_cast %reduce_sum3A_81 : vector<1024xf32> to vector<1024x1xf32>
    %div3A_83 = vector.broadcast %broadcast_in_dim3A_82 : vector<1024x1xf32> to vector<1024x7xf32>
    %div3A_84 = arith.divf %exp3A, %div3A_83 : vector<1024x7xf32>
    %swap3A = arith.constant 0 : index
    %swap3A_85 = arith.constant 0 : index
    %swap3A_86 = vector.load %arg8[%swap3A, %swap3A_85] : memref<1024x7xf32, #tpu.memory_space<vmem>>, vector<1024x7xf32>
    tpu.vector_store %arg8[%swap3A, %swap3A_85], %div3A_84 {strides = array<i32>} : memref<1024x7xf32, #tpu.memory_space<vmem>>, vector<1024x7xf32>,
    return
  }
  func.func @transform_0(%arg0: i32) -> (i32, i32) {
    %c0_i32 = arith.constant 0 : i32
    %c0_i32_0 = arith.constant 0 : i32
    return %arg0, %c0_i32 : i32, i32
  }
  func.func @transform_1(%arg0: i32) -> (i32, i32) {
    %c0_i32 = arith.constant 0 : i32
    %c0_i32_0 = arith.constant 0 : i32
    return %arg0, %c0_i32 : i32, i32
  }
  func.func @transform_2(%arg0: i32) -> (i32, i32) {
    %c0_i32 = arith.constant 0 : i32
    %c0_i32_0 = arith.constant 0 : i32
    %c0_i32_1 = arith.constant 0 : i32
    return %c0_i32, %c0_i32_0 : i32, i32
  }
  func.func @transform_3(%arg0: i32) -> (i32, i32) {
    %c0_i32 = arith.constant 0 : i32
    %c0_i32_0 = arith.constant 0 : i32
    %c0_i32_1 = arith.constant 0 : i32
    return %c0_i32, %c0_i32_0 : i32, i32
  }
  func.func @transform_4(%arg0: i32) -> (i32, i32) {
    %c0_i32 = arith.constant 0 : i32
    %c0_i32_0 = arith.constant 0 : i32
    %c0_i32_1 = arith.constant 0 : i32
    return %c0_i32, %c0_i32_0 : i32, i32
  }
  func.func @transform_5(%arg0: i32) -> (i32, i32) {
    %c0_i32 = arith.constant 0 : i32
    %c0_i32_0 = arith.constant 0 : i32
    %c0_i32_1 = arith.constant 0 : i32
    return %c0_i32, %c0_i32_0 : i32, i32
  }
  func.func @transform_6(%arg0: i32) -> (i32, i32) {
    %c0_i32 = arith.constant 0 : i32
    %c0_i32_0 = arith.constant 0 : i32
    %c0_i32_1 = arith.constant 0 : i32
    return %c0_i32, %c0_i32_0 : i32, i32
  }
  func.func @transform_7(%arg0: i32) -> (i32, i32) {
    %c0_i32 = arith.constant 0 : i32
    %c0_i32_0 = arith.constant 0 : i32
    return %arg0, %c0_i32 : i32, i32
  }
}

</mosaic_0001>

<sc_bundles>
// kernel: kernel.5.cloned.1.call-start
scs
__scs_entry_jumppad:
0x0: {  	(pc) =	sbr.rel $0x88, $3  }
0x1: {  	(tag) =	ssettag $0x0;
	lr =	simm.s32 $0x1  }
0x2: {  	[smem:$0x3F96] =	sst lr;
	_ =	strace $0xD0000000  }
0x3: {  	_ = 	snop  }
0x4: {  	_ = 	snop  }
0x5: {  	_ = 	snop  }
0x6: {  	_ = 	snop  }
0x7: {  	_ = 	snop  }
__scs_overlays_trampoline_lowered:
0x8: {  	[smem:$0x3FA5] =	sst s0  }
0x9: {  	[smem:$0x3FA6] =	sst s1  }
0xa: {  	[smem:$0x3FA7] =	sst s2  }
0xb: {  	[smem:$0x3FA8] =	sst s3  }
0xc: {  	[smem:$0x3FA9] =	sst s4  }
0xd: {  	[smem:$0x3FAA] =	sst s5  }
0xe: {  	[smem:$0x3FAB] =	sst s6  }
0xf: {  	[smem:$0x3FAC] =	sst s7  }
0x10: {  	[smem:$0x3FAD] =	sst s8  }
0x11: {  	[smem:$0x3FAE] =	sst s9;
	s0 =	simm.s32 @!p0 $0x0  }
0x12: {  	s1 =	sld [smem:$0x3F94];
	s0 =	simm.s32 @p0 $0x1  }
0x13: {  	[smem:$0x3FAF] =	sst s0;
	s0 =	simm.s32 @!p1 $0x0  }
0x14: {  	s2 =	sld [smem:$0x3F93];
	s0 =	simm.s32 @p1 $0x1  }
0x15: {  	[smem:$0x3FB0] =	sst s0;
	s0 =	simm.s32 @!p2 $0x0  }
0x16: {  	s3 =	sld [smem:$0x3FDB];
	s0 =	simm.s32 @p2 $0x1  }
0x17: {  	s4 =	simm.s32 $0x1BF5;
	[smem:$0x3FB2] =	sst s0  }
0x18: {  	s0 =	sld [smem:$0x3F95];
	_ =	swait.ge [sflag:s4], $0x0  }
0x19: {  	s7 =	sld [smem:$0x3F96]  }
0x1a: {  	s8 =	sadd.s32 $0xFFFFE003, lr  }
0x1b: {  	s9 =	sadd.s32 $0xFFFFFEF7, lr;
	s5 =	simm.s32 $0xFFFFFFFF;
	p2 =	slt.u32 s8, $0xFFFFF086  }
0x1c: {  	p1 =	slt.u32 s9, $0xF7A;
	s5 =	simm.s32 @!p2 $0x0  }
0x1d: {  	s5 =	simm.s32 @p1 $0x1;
	p0 =	seq.s32 s7, s2  }
0x1e: {  	s7 =	smul.u32 @!p0 $0xF7A, s2;
	p2 =	seq.s32 @!p0 s5, $0x0  }
0x1f: {  	s9 =	smul.u32 $0xF7A, s1;
	s8 =	simm.s32 @!p0 $0x1BF5;
	p2 =	por !p2, p0  }
0x20: {  	[sflag:s8] =	ssyncset.s32 @!p0 $0xFFFFF086;
	s6 =	sadd.s32 @!p0 s3, s7;
	s7 =	simm.s32 @!p0 $0x108  }
0x21: {  	s3 =	sadd.s32 s3, s9;
	s6 =	sadd.s32 @!p0 $0x88, s6;
	s7 =	simm.s32 @p2 $0x1082  }
0x22: {  	[simem:s7], [sflag:s8] =	dma.local @!p0 [hbm:s6], $0xF7A  }
0x23: {  	s9 =	sor.u32 $0xD0000000, s2;
	s6 =	simm.s32 $0x108;
	_ =	swait.ge @!p0 [sflag:s8], $0x0  }
0x24: {  	s3 =	sadd.s32 $0x88, s3;
	s6 =	simm.s32 @!p1 $0x1082;
	[sflag:s4] =	ssyncset.s32 $0xFFFFF086  }
0x25: {  	[simem:s6], [sflag:s4] =	dma.local [hbm:s3], $0xF7A  }
0x26: {  	[smem:$0x3F96] =	sst s1;
	(tag) =	ssettag s2;
	_ =	strace s9  }
0x27: {  	s1 =	sld [smem:$0x3FA6]  }
0x28: {  	s2 =	sld [smem:$0x3FA7]  }
0x29: {  	s4 =	sld [smem:$0x3FA9]  }
0x2a: {  	p0 =	seq.s32 s5, $0x0;
	s5 =	sld [smem:$0x3FAA]  }
0x2b: {  	s6 =	sld [smem:$0x3FAB]  }
0x2c: {  	s7 =	sld [smem:$0x3FAC]  }
0x2d: {  	s3 =	simm.s32 $0x108;
	s8 =	sld [smem:$0x3FAD]  }
0x2e: {  	s3 =	simm.s32 @!p0 $0x1082;
	s9 =	sld [smem:$0x3FAE]  }
0x2f: {  	lr =	sadd.s32 s0, s3;
	s0 =	sld [smem:$0x3FA5]  }
0x30: {  	s3 =	sld [smem:$0x3FA8]  }
0x31: {  	[smem:$0x3FB1] =	sst s10  }
0x32: {  	s10 =	sld [smem:$0x3FAF];
	_ =	sdelay $0x3  }
0x33: {  	p0 =	seq.s32 s10, $0x1;
	s10 =	sld [smem:$0x3FB1];
	_ =	sdelay $0x3  }
0x34: {  	[smem:$0x3FB1] =	sst s10  }
0x35: {  	s10 =	sld [smem:$0x3FB0];
	_ =	sdelay $0x3  }
0x36: {  	p1 =	seq.s32 s10, $0x1;
	s10 =	sld [smem:$0x3FB1];
	_ =	sdelay $0x3  }
0x37: {  	[smem:$0x3FB1] =	sst s10  }
0x38: {  	s10 =	sld [smem:$0x3FB2]  }
0x39: {  	_ = 	snop;
	(pc) =	sbr.ind lr, $3  }
0x3a: {  	_ = 	snop  }
0x3b: {  	_ = 	snop  }
0x3c: {  	p2 =	seq.s32 s10, $0x1;
	s10 =	sld [smem:$0x3FB1]  }
0x3d: {  	_ =	shalt  }
0x3e: {  	_ =	shalt  }
0x3f: {  	_ =	shalt  }
0x40: {  	_ =	shalt  }
0x41: {  	_ =	shalt  }
0x42: {  	_ =	shalt  }
0x43: {  	_ =	shalt  }
0x44: {  	_ =	shalt  }
0x45: {  	_ =	shalt  }
0x46: {  	_ =	shalt  }
0x47: {  	_ =	shalt  }
0x48: {  	_ =	shalt  }
0x49: {  	_ =	shalt  }
0x4a: {  	_ =	shalt  }
0x4b: {  	_ =	shalt  }
0x4c: {  	_ =	shalt  }
0x4d: {  	_ =	shalt  }
0x4e: {  	_ =	shalt  }
0x4f: {  	_ =	shalt  }
0x50: {  	_ =	shalt  }
0x51: {  	_ =	shalt  }
0x52: {  	_ =	shalt  }
0x53: {  	_ =	shalt  }
0x54: {  	_ =	shalt  }
0x55: {  	_ =	shalt  }
0x56: {  	_ =	shalt  }
0x57: {  	_ =	shalt  }
0x58: {  	_ =	shalt  }
0x59: {  	_ =	shalt  }
0x5a: {  	_ =	shalt  }
0x5b: {  	_ =	shalt  }
0x5c: {  	_ =	shalt  }
0x5d: {  	_ =	shalt  }
0x5e: {  	_ =	shalt  }
0x5f: {  	_ =	shalt  }
0x60: {  	_ =	shalt  }
0x61: {  	_ =	shalt  }
0x62: {  	_ =	shalt  }
0x63: {  	_ =	shalt  }
0x64: {  	_ =	shalt  }
0x65: {  	_ =	shalt  }
0x66: {  	_ =	shalt  }
0x67: {  	_ =	shalt  }
0x68: {  	_ =	shalt  }
0x69: {  	_ =	shalt  }
0x6a: {  	_ =	shalt  }
0x6b: {  	_ =	shalt  }
0x6c: {  	_ =	shalt  }
0x6d: {  	_ =	shalt  }
0x6e: {  	_ =	shalt  }
0x6f: {  	_ =	shalt  }
0x70: {  	_ =	shalt  }
0x71: {  	_ =	shalt  }
0x72: {  	_ =	shalt  }
0x73: {  	_ =	shalt  }
0x74: {  	_ =	shalt  }
0x75: {  	_ =	shalt  }
0x76: {  	_ =	shalt  }
0x77: {  	_ =	shalt  }
0x78: {  	_ =	shalt  }
0x79: {  	_ =	shalt  }
0x7a: {  	_ =	shalt  }
0x7b: {  	_ =	shalt  }
0x7c: {  	_ =	shalt  }
0x7d: {  	_ =	shalt  }
0x7e: {  	_ =	shalt  }
0x7f: {  	_ =	shalt  }
0x80: {  	_ =	shalt  }
0x81: {  	_ =	shalt  }
0x82: {  	_ =	shalt  }
0x83: {  	_ =	shalt  }
0x84: {  	_ =	shalt  }
0x85: {  	_ =	shalt  }
0x86: {  	_ =	shalt  }
0x87: {  	_ =	shalt  }
.Lfunc_end0:
.L_simem_size_0:
called_computation_lowered:
.L_overlay_start_0:
0x88: {  	s2 =	sld [smem:$0x3FD9]  }
0x89: {  	s3 =	sld [smem:$0x3FFE];
	_ =	sdelay $0x1  }
0x8a: {  	s1 =	srdreg.scid  }
0x8b: {  	s0 =	sand.u32 $0x1, s1  }
0x8c: {  	s17 =	sshll.u32 s0, $0xA;
	s2 =	sadd.s32 s3, s2  }
0x8d: {  	s2 =	sadd.s32 s2, s17  }
0x8e: {  	[smem:$0x3FBD] =	sst s2  }
0x8f: {  	_ = 	snop  }
0x90: {  	s2 =	sld [smem:$0x3FC7];
	(tm) =	ssettm $0x1  }
0x91: {  	s18 =	sld [smem:$0x3FFB];
	_ =	sdelay $0x3  }
0x92: {  	_ =	strace s18  }
0x93: {  	s3 =	sld [smem:$0x3FFC];
	_ =	sdelay $0x3  }
0x94: {  	_ =	strace s3  }
0x95: {  	s3 =	sld [smem:$0x3FFD];
	_ =	sdelay $0x3  }
0x96: {  	_ =	strace s3  }
0x97: {  	_ =	strace $0x8FFFFFFF  }
0x98: {  	s19 =	sld [smem:$0x3FDB];
	_ =	sdelay $0x1  }
0x99: {  	s4 =	simm.s32 $_scs_section_size  }
0x9a: {  	s5 =	simm.s32 $_size__tile_overlayer_lowered;
	s6 =	simm.s32 $_tile_overlayer_lowered  }
0x9b: {  	s22 =	simm.s32 $0x1BFF;
	s21 =	sshll.u32 s6, $0x1;
	s3 =	sadd.s32 s4, s19  }
0x9c: {  	s7 =	simm.s32 $0x0;
	s20 =	sshll.u32 s5, $0x1;
	s5 =	sadd.s32 s21, s3  }
0x9d: {  	[timem:s7], [sflag:s22] =	dma.local [hbm:s5], s20  }
0x9e: {  	_ =	swait.ge [sflag:s22], s20  }
0x9f: {  	s4 =	ssub.s32 $0x0, s20;
	[sflag:s22] =	ssyncset.done $0x0  }
0xa0: {  	[sflag:s22] =	ssyncadd.s32 s4;
	_ =	sdelay $0x1  }
0xa1: {  	s23 =	simm.s32 $0x1B8B  }
0xa2: {  	_ =	swait.ge [sflag:s23], $0x1  }
0xa3: {  	[sflag:s23] =	ssyncset.done $0x0  }
0xa4: {  	s25 =	simm.s32 $0x1B8E;
	s24 =	sld [smem:$0x3FFE];
	[sflag:s23] =	ssyncadd.s32 $0xFFFFFFFF  }
0xa5: {  	s26 =	simm.s32 $execute0_lowered;
	[smem:$0x3FD2] =	sst s25  }
0xa6: {  	s5 =	sshll.u32 s26, $0x1;
	_ =	strace $0x80000046;
	[dreg:$0x1] =	wrdreg $0xFFFFFFFF  }
0xa7: {  	s28 =	simm.s32 $_size_execute0_lowered;
	s3 =	sadd.s32 s3, s5;
	[dreg:$0x0] =	wrdreg $0x0  }
0xa8: {  	s5 =	sshll.u32 s28, $0x1;
	[dreg:$0x2] =	wrdreg s3  }
0xa9: {  	[dreg:$0x3] =	wrdreg s5  }
0xaa: {  	[dreg:$0x4] =	wrdreg $0xC0  }
0xab: {  	_ =	task [dreg:s7], $0x5FFFF  }
0xac: {  	[dreg:$0x1] =	wrdreg $0xFFFFFFFF  }
0xad: {  	[dreg:$0x0] =	wrdreg $0x60  }
0xae: {  	[dreg:$0x2] =	wrdreg s24  }
0xaf: {  	[dreg:$0x3] =	wrdreg s2  }
0xb0: {  	[dreg:$0x4] =	wrdreg $0x0  }
0xb1: {  	[dreg:$0x5] =	wrdreg $0x188000  }
0xb2: {  	[dreg:$0x6] =	wrdreg $0x9  }
0xb3: {  	_ =	task.clear_ibuf [dreg:s7], $0x7FFFF;
	_ =	strace $0x90000046  }
0xb4: {  	s29 =	simm.s32 $0x9;
	_ =	strace $0x80000048  }
0xb5: {  	_ =	swait.ge [sflag:s29], $0x1  }
0xb6: {  	[sflag:s29] =	ssyncadd.s32 $0xFFFFFFFF  }
0xb7: {  	_ =	strace $0x90000048  }
0xb8: {  	_ =	sfence  }
0xb9: {  	s30 =	sld [smem:$0x0];
	_ =	sdelay $0x2  }
0xba: {  	s31 =	sshll.u32 s1, $0xD;
	s1 =	sshrl.u32 s1, $0x2  }
0xbb: {  	s3 =	sand.u32 $0x4000, s31;
	s1 =	sadd.s32 s1, s30  }
0xbc: {  	s0 =	sor.u32 s3, s0;
	s1 =	sshll.u32 s1, $0x11  }
0xbd: {  	s0 =	sor.u32 s1, s0  }
0xbe: {  	s0 =	sadd.s32 $0x8F2B, s0  }
0xbf: {  	[sflag:s0] =	ssyncadd.remote.s32 $0x1  }
0xc0: {  	_ =	sfence.sel $0xFFFF  }
0xc1: {  	[dreg:$0x0] =	wrdreg $0xFFFFFFFF;
	(pc) =	sbr.abs _section_cstart, $3  }
0xc2: {  	[dreg:$0x1] =	wrdreg $0xFFFFFFFF  }
0xc3: {  	_ =	task.clear_ibuf [dreg:s7], $0x2FFFF;
	_ =	strace $0x9FFFFFFF  }
0xc4: {  	(tm) =	ssettm $0x7FFFFFFF  }
0xc5: {  	_ =	shalt  }
tec
execute0_lowered:
.L_overlay_start_1:
0x0: {  	(tag) =	ssettag $0x1  }
0x1: {  	s3 =	rddreg [dreg:$0x0]  }
0x2: {  	s4 =	rddreg [dreg:$0x1]  }
0x3: {  	s1 =	rddreg [dreg:$0x2]  }
0x4: {  	s2 =	rddreg [dreg:$0x3];
	s0 =	srdreg.scid  }
0x5: {  	s23 =	simm.s32 $0x0;
	s21 =	stileid.u32;
	s30 =	simm.s32 $0x3  }
0x6: {  	s31 =	simm.s32 $0x2;
	[smem:$0x7FF] =	sst s23;
	s8 =	smul.u32 $0xC40, s21  }
0x7: {  	s5 =	sadd.s32 $0x1A00, s3;
	s6 =	sadd.s32 $0x1A400, s3;
	s9 =	sshll.u32 s21, $0x9  }
0x8: {  	s7 =	sand.u32 $0x1, s0;
	s14 =	sadd.s32 $0x10F600, s3;
	s24 =	sadd.s32 $0x11F600, s3  }
0x9: {  	s0 =	smul.u32 $0xC400, s7;
	_ =	strace $0x80000047;
	s10 =	sshll.u32 s7, $0xD  }
0xa: {  	s12 =	ssub.s32 $0x2, s7;
	s18 =	sor.u32 $0x80, s9;
	s19 =	sor.u32 $0x100, s9  }
0xb: {  	s13 =	sor.u32 s10, s9;
	s15 =	sshrl.u32 s12, $0x1;
	s26 =	sor.u32 s10, s18  }
0xc: {  	s9 =	sor.u32 $0x180, s9;
	s17 =	sor.u32 s10, s19;
	s8 =	sadd.s32 s8, s0  }
0xd: {  	s16 =	sshll.u32 s13, $0x2;
	s12 =	ssub.s32 s12, s15;
	s20 =	sshll.u32 s26, $0x2  }
0xe: {  	s10 =	sor.u32 s10, s9;
	s22 =	sshll.u32 s17, $0x2;
	s13 =	sadd.s32 s24, s13  }
0xf: {  	s15 =	sadd.s32 $0x32E00, s3;
	s9 =	sshrl.u32 s9, $0x3;
	s11 =	sshll.u32 s8, $0x2  }
0x10: {  	s25 =	sadd.s32 s14, s16;
	s16 =	sadd.s32 s14, s20;
	[dreg:$0x9] =	wrdreg s13  }
0x11: {  	s20 =	sshll.u32 s10, $0x2;
	s10 =	sadd.s32 s24, s10;
	[dreg:$0x5] =	wrdreg s25  }
0x12: {  	s13 =	smul.u32 $0x62000, s21;
	s8 =	sadd.s32 s8, s3;
	[dreg:$0x6] =	wrdreg s16  }
0x13: {  	s9 =	sadd.s32 s4, s9;
	s16 =	sadd.s32 s14, s22;
	[dreg:$0xc] =	wrdreg s10  }
0x14: {  	s14 =	sadd.s32 s14, s20;
	s11 =	sadd.s32 s11, s3;
	[dreg:$0x10] =	wrdreg s9  }
0x15: {  	s25 =	sadd.s32 s24, s26;
	s26 =	sadd.s32 s24, s17;
	[dreg:$0x7] =	wrdreg s16  }
0x16: {  	s17 =	sadd.s32 $0x4B600, s3;
	s20 =	smul.u32 $0x18800, s21;
	[dreg:$0x8] =	wrdreg s14  }
0x17: {  	s22 =	sshrl.u32 s18, $0x3;
	s24 =	sshrl.u32 s19, $0x3;
	[dreg:$0xa] =	wrdreg s25  }
0x18: {  	s8 =	sadd.s32 $0x297600, s8;
	s9 =	simm.s32 $0x80;
	[dreg:$0xb] =	wrdreg s26  }
0x19: {  	s16 =	sadd.s32 $0x3F200, s3;
	s14 =	sshrl.u32 s13, $0x2;
	s11 =	sadd.s32 $0xAD600, s11  }
0x1a: {  	s25 =	sshll.u32 s21, $0x6;
	s26 =	smul.u32 $0xC400, s21;
	[dreg:$0x13] =	wrdreg s8  }
0x1b: {  	s21 =	sshll.u32 s7, $0x1;
	s7 =	simm.s32 $0x1A080;
	s8 =	simm.s32 $0x1A180  }
0x1c: {  	s13 =	simm.s32 $0x1B380;
	s3 =	sadd.s32 s14, s1;
	[dreg:$0xd] =	wrdreg s11  }
0x1d: {  	s10 =	sshrl.u32 s20, $0x2;
	s11 =	sadd.s32 s4, s22;
	s18 =	sor.u32 $0x1C05, s25  }
0x1e: {  	s14 =	simm.s32 $0x1A100;
	[dreg:$0xe] =	wrdreg s11;
	s11 =	sadd.s32 s4, s24  }
0x1f: {  	s4 =	sadd.s32 s4, s25;
	[dreg:$0x12] =	wrdreg s18;
	s19 =	sadd.s32 s10, s2  }
0x20: {  	s20 =	sshrl.u32 s26, $0x3;
	s28 =	sor.u32 $0x80, s26;
	[dreg:$0xf] =	wrdreg s11  }
0x21: {  	s29 =	sor.u32 $0x100, s26;
	s25 =	smax.u32 s12, $0x1;
	[dreg:$0x11] =	wrdreg s4  }
0x22: {  	s3 =	sshrl.u32 s3, $0x3;
	s10 =	simm.s32 $0x1A380;
	[dreg:$0x16] =	wrdreg s25  }
0x23: {  	s18 =	simm.s32 $0x1A200;
	s22 =	sadd.s32 s5, s20;
	[dreg:$0x17] =	wrdreg s3  }
0x24: {  	v0 =	vlaneseq.u32;
	s24 =	sadd.s32 s6, s20;
	s26 =	sshrl.u32 s19, $0x3;
	[dreg:$0x19] =	wrdreg s28  }
0x25: {  	v4 =	vimm.s32 $0x0;
	v2 =	vand.u32 $0x3, v0;
	s3 =	simm.s32 $0x5;
	s11 =	simm.s32 $0x1AB80;
	[dreg:$0x14] =	wrdreg s22  }
0x26: {  	v1 =	vmov s0;
	v3 =	vmov s21;
	vm0 =	vgt.s32 v2, s21;
	s19 =	simm.s32 $0x1A780;
	s20 =	simm.s32 $0x1AF80;
	[dreg:$0x15] =	wrdreg s24  }
0x27: {  	v5 =	vsub.s32 v2, v3;
	v3 =	vsel vm0, $0x1, v4;
	v4 =	vshrl.u32 v0, $0x2;
	s25 =	simm.s32 $0x1D380;
	s4 =	simm.s32 $0x0;
	[dreg:$0x18] =	wrdreg s26  }
0x28: {  	vm0 =	veq.s32 v5, v3;
	v4 =	vmul.u32 $0x8, v4;
	v5 =	vor.u32 $0x10, v0;
	s22 =	simm.s32 $0x1C380;
	s24 =	simm.s32 $0x1;
	s26 =	simm.s32 $0x1D780  }
.LBB2_1:
0x29: {  	[dreg:$0x1a] =	wrdreg s4  }
0x2a: {  	s0 =	rddreg [dreg:$0xd]  }
0x2b: {  	s4 =	rddreg [dreg:$0x12]  }
0x2c: {  	s12 =	rddreg [dreg:$0x17]  }
0x2d: {  	[spmem:s12], [sflag:s4] =	dma.local [hbm:s0], $0x3100  }
0x2e: {  	_ =	swait.ge [sflag:s3], $0x3100  }
0x2f: {  	[sflag:s3] =	ssyncset.done $0x0;
	s12 =	rddreg [dreg:$0x13]  }
0x30: {  	s21 =	rddreg [dreg:$0x18];
	[sflag:s3] =	ssyncadd.s32 $0xFFFFCF00  }
0x31: {  	[spmem:s21], [sflag:s4] =	dma.local [hbm:s12], $0xC40  }
0x32: {  	_ =	swait.ge [sflag:s3], $0xC40  }
0x33: {  	[sflag:s3] =	ssyncset.done $0x0  }
0x34: {  	[sflag:s3] =	ssyncadd.s32 $0xFFFFF3C0  }
0x35: {  	[bflag:$0x0] =	sbarrier.arrive $0xFFFF  }
0x36: {  	s12 =	rddreg [dreg:$0x14]  }
0x37: {  	[tilespmem:s7], [sflag:$0x5] =	stream.linear.gather [hbm4b:s12+s23], $0x80, $0x38;
	[tilespmem:$0x1FC00] =	vst v63  }
0x38: {  	_ =	swait.ge [sflag:s3], $0x80  }
0x39: {  	[sflag:s3] =	ssyncset.done $0x0  }
0x3a: {  	s21 =	rddreg [dreg:$0x15];
	[sflag:s3] =	ssyncadd.s32 $0xFFFFFF80  }
0x3b: {  	[tilespmem:s8], [sflag:$0x5] =	stream.linear.gather [hbm4b:s21+s23], $0x80, $0x38;
	[tilespmem:$0x1FC00] =	vst v63  }
0x3c: {  	_ =	swait.ge [sflag:s3], $0x80  }
0x3d: {  	[sflag:s3] =	ssyncset.done $0x0  }
0x3e: {  	[sflag:s3] =	ssyncadd.s32 $0xFFFFFF80  }
0x3f: {  	v6 =	vld [tilespmem:$0x1A080]  }
0x40: {  	v7 =	vld [tilespmem:$0x1A090]  }
0x41: {  	v8 =	vld [tilespmem:$0x1A0A0]  }
0x42: {  	v9 =	vld [tilespmem:$0x1A0B0]  }
0x43: {  	v10 =	vld [tilespmem:$0x1A0C0]  }
0x44: {  	v11 =	vld [tilespmem:$0x1A0D0];
	v6 =	vadd.s32 v1, v6  }
0x45: {  	[tilespmem:$0x1A280] =	vst v6;
	v6 =	vadd.s32 v1, v7;
	v7 =	vld [tilespmem:$0x1A0E0]  }
0x46: {  	v63 =	vld [tilespmem:$0x1A0F0];
	[tilespmem:$0x1A290] =	vst v6;
	v6 =	vadd.s32 v1, v8  }
0x47: {  	[tilespmem:$0x1A2A0] =	vst v6;
	v6 =	vadd.s32 v1, v9  }
0x48: {  	[tilespmem:$0x1A2B0] =	vst v6;
	v6 =	vadd.s32 v1, v10  }
0x49: {  	[tilespmem:$0x1A2C0] =	vst v6;
	v6 =	vadd.s32 v1, v11  }
0x4a: {  	[tilespmem:$0x1A2D0] =	vst v6;
	v6 =	vadd.s32 v1, v7  }
0x4b: {  	[tilespmem:$0x1A2E0] =	vst v6;
	v6 =	vadd.s32 v1, v63  }
0x4c: {  	[tilespmem:$0x1A2F0] =	vst v6  }
0x4d: {  	[tilespmem:s10], [sflag:$0x1] =	stream.indirect.gather [hbm4b:s15+s9], $0x4, s7, s9, $0xb8;
	[tilespmem:$0x1FC00] =	vst v63  }
0x4e: {  	_ = 	snop  }
0x4f: {  	[tilespmem:s11], [sflag:$0x1] =	stream.indirect.gather [hbm4b:s16+s9], $0x4, s8, s9, $0xb8;
	[tilespmem:$0x1FC00] =	vst v63  }
0x50: {  	s4 =	simm.s32 $0x0;
	s23 =	simm.s32 $0x1A280  }
0x51: {  	[tilespmem:s13], [sflag:$0x1] =	stream.indirect.gather [hbm4b:s17+s9], $0x20, s23, s9, $0xb8;
	[tilespmem:$0x1FC00] =	vst v63  }
.LBB2_2:
0x52: {  	s0 =	sshll.u32 s4, $0x8  }
0x53: {  	s21 =	sadd.s32 s0, s28  }
0x54: {  	s21 =	sshrl.u32 s21, $0x3  }
0x55: {  	s23 =	simm.s32 $0x0;
	s12 =	sadd.s32 s5, s21  }
0x56: {  	[tilespmem:s14], [sflag:$0x5] =	stream.linear.gather [hbm4b:s12+s23], $0x80, $0x38;
	[tilespmem:$0x1FC00] =	vst v63  }
0x57: {  	_ =	swait.ge [sflag:s3], $0x80  }
0x58: {  	[sflag:s3] =	ssyncset.done $0x0  }
0x59: {  	s21 =	sadd.s32 s6, s21;
	[sflag:s3] =	ssyncadd.s32 $0xFFFFFF80  }
0x5a: {  	[tilespmem:s18], [sflag:$0x5] =	stream.linear.gather [hbm4b:s21+s23], $0x80, $0x38;
	[tilespmem:$0x1FC00] =	vst v63  }
0x5b: {  	_ =	swait.ge [sflag:s3], $0x80  }
0x5c: {  	[sflag:s3] =	ssyncset.done $0x0  }
0x5d: {  	[sflag:s3] =	ssyncadd.s32 $0xFFFFFF80  }
0x5e: {  	v6 =	vld [tilespmem:$0x1A100]  }
0x5f: {  	v7 =	vld [tilespmem:$0x1A110]  }
0x60: {  	v8 =	vld [tilespmem:$0x1A120]  }
0x61: {  	v9 =	vld [tilespmem:$0x1A130]  }
0x62: {  	v10 =	vld [tilespmem:$0x1A140]  }
0x63: {  	v11 =	vld [tilespmem:$0x1A150];
	v6 =	vadd.s32 v1, v6  }
0x64: {  	[tilespmem:$0x1A300] =	vst v6;
	v6 =	vadd.s32 v1, v7;
	v7 =	vld [tilespmem:$0x1A160]  }
0x65: {  	[tilespmem:$0x1A310] =	vst v6;
	v6 =	vadd.s32 v1, v8;
	v8 =	vld [tilespmem:$0x1A170]  }
0x66: {  	[tilespmem:$0x1A320] =	vst v6;
	v6 =	vadd.s32 v1, v9  }
0x67: {  	[tilespmem:$0x1A330] =	vst v6;
	v6 =	vadd.s32 v1, v10  }
0x68: {  	[tilespmem:$0x1A340] =	vst v6;
	v6 =	vadd.s32 v1, v11  }
0x69: {  	[tilespmem:$0x1A350] =	vst v6;
	v6 =	vadd.s32 v1, v7  }
0x6a: {  	[tilespmem:$0x1A360] =	vst v6;
	v6 =	vadd.s32 v1, v8  }
0x6b: {  	[tilespmem:$0x1A370] =	vst v6  }
0x6c: {  	[tilespmem:s19], [sflag:$0x2] =	stream.indirect.gather [hbm4b:s15+s9], $0x4, s14, s9, $0xb8;
	[tilespmem:$0x1FC00] =	vst v63  }
0x6d: {  	_ = 	snop  }
0x6e: {  	[tilespmem:s20], [sflag:$0x2] =	stream.indirect.gather [hbm4b:s16+s9], $0x4, s18, s9, $0xb8;
	[tilespmem:$0x1FC00] =	vst v63  }
0x6f: {  	s21 =	simm.s32 $0x1A300  }
0x70: {  	[tilespmem:s22], [sflag:$0x2] =	stream.indirect.gather [hbm4b:s17+s9], $0x20, s21, s9, $0xb8;
	[tilespmem:$0x1FC00] =	vst v63  }
0x71: {  	_ =	swait.ge [sflag:s24], $0x200  }
0x72: {  	v6 =	vmov s23;
	[sflag:s24] =	ssyncset.done $0x0  }
0x73: {  	v7 =	vshll.u32 v6, $0x3;
	[sflag:s24] =	ssyncadd.s32 $0xFFFFFE00  }
0x74: {  	v8 =	vor.u32 v4, v7;
	_ =	swait.ge [sflag:s24], $0x200  }
0x75: {  	v9 =	vor.u32 v2, v8;
	[sflag:s24] =	ssyncset.done $0x0  }
0x76: {  	[sflag:s24] =	ssyncadd.s32 $0xFFFFFE00  }
0x77: {  	_ =	swait.ge [sflag:s24], $0x1000  }
0x78: {  	[sflag:s24] =	ssyncset.done $0x0  }
0x79: {  	[sflag:s24] =	ssyncadd.s32 $0xFFFFF000  }
0x7a: {  	v10 =	vld.idx.msk [tilespmem:v9+s10+$0x0], $0xffff  }
0x7b: {  	v9 =	vld.idx.msk [tilespmem:v9+s11+$0x0], $0xffff;
	_ =	sdelay $0x4  }
0x7c: {  	v9 =	vadd.f32 v9, v10;
	_ =	sdelay $0x1  }
0x7d: {  	v10 =	vmul.f32 $2.000000030e-01, v9;
	_ =	sdelay $0x1  }
0x7e: {  	v9 =	vmax.f32 v9, v10  }
0x7f: {  	v9 =	vmul.f32 $1.442695020e+00, v9;
	_ =	sdelay $0x1  }
0x80: {  	(erf) = vpow2.f32 v9;
	_ =	sdelay $0x4  }
0x81: {  	v6 =	vshll.u32 v6, $0x5;
	v8 =	vor.u32 v3, v8  }
0x82: {  	v9 =	vor.u32 v5, v6  }
0x83: {  	v6 =	vor.u32 v0, v6;
	_ =	sdelay $0x1  }
0x84: {  	v10 =	vor.u32 $0x1, v7;
	v11 =	vpop (erf)  }
0x85: {  	[tilespmem:v8+s25+$0x0] =	vst.idx.msk vm0, v11  }
0x86: {  	v8 =	vld.idx.msk [tilespmem:v9+s13+$0x0], $0xffff  }
0x87: {  	v11 =	vld.idx.msk [tilespmem:v6+s13+$0x0], $0xffff  }
0x88: {  	v7 =	vld.idx.msk [tilespmem:v7+s25+$0x0], $0xffff  }
0x89: {  	s21 =	simm.s32 $0x1;
	v10 =	vld.idx.msk [tilespmem:v10+s25+$0x0], $0xffff  }
0x8a: {  	v12 =	vmov s21  }
0x8b: {  	v13 =	vshll.u32 v12, $0x3  }
0x8c: {  	v14 =	vor.u32 $0x1, v13  }
0x8d: {  	v12 =	vshll.u32 v12, $0x5;
	v7 =	vmul.f32 v11, v7  }
0x8e: {  	v11 =	vor.u32 v0, v12;
	v8 =	vmul.f32 v8, v10  }
0x8f: {  	[tilespmem:v6+s26+$0x0] =	vst.idx.msk $0xffff, v7;
	v6 =	vor.u32 v5, v12  }
0x90: {  	[tilespmem:v9+s26+$0x0] =	vst.idx.msk $0xffff, v8  }
0x91: {  	v7 =	vld.idx.msk [tilespmem:v14+s25+$0x0], $0xffff  }
0x92: {  	v9 =	vld.idx.msk [tilespmem:v13+s25+$0x0], $0xffff  }
0x93: {  	v8 =	vld.idx.msk [tilespmem:v11+s13+$0x0], $0xffff  }
0x94: {  	s21 =	simm.s32 $0x2;
	v10 =	vld.idx.msk [tilespmem:v6+s13+$0x0], $0xffff  }
0x95: {  	v49 =	vmov s21  }
0x96: {  	v50 =	vshll.u32 v49, $0x3  }
0x97: {  	v51 =	vor.u32 $0x1, v50;
	v12 =	vshll.u32 v49, $0x5  }
0x98: {  	v8 =	vmul.f32 v8, v9;
	v9 =	vor.u32 v0, v12  }
0x99: {  	v7 =	vmul.f32 v10, v7  }
0x9a: {  	[tilespmem:v11+s26+$0x0] =	vst.idx.msk $0xffff, v8;
	v8 =	vor.u32 v5, v12  }
0x9b: {  	[tilespmem:v6+s26+$0x0] =	vst.idx.msk $0xffff, v7  }
0x9c: {  	v6 =	vld.idx.msk [tilespmem:v51+s25+$0x0], $0xffff  }
0x9d: {  	v7 =	vld.idx.msk [tilespmem:v9+s13+$0x0], $0xffff  }
0x9e: {  	v10 =	vld.idx.msk [tilespmem:v50+s25+$0x0], $0xffff  }
0x9f: {  	s21 =	simm.s32 $0x3;
	v11 =	vld.idx.msk [tilespmem:v8+s13+$0x0], $0xffff  }
0xa0: {  	v52 =	vmov s21  }
0xa1: {  	v53 =	vshll.u32 v52, $0x3  }
0xa2: {  	v54 =	vor.u32 $0x1, v53;
	v12 =	vshll.u32 v52, $0x5  }
0xa3: {  	v7 =	vmul.f32 v7, v10;
	v10 =	vor.u32 v0, v12  }
0xa4: {  	v6 =	vmul.f32 v11, v6  }
0xa5: {  	[tilespmem:v9+s26+$0x0] =	vst.idx.msk $0xffff, v7;
	v7 =	vor.u32 v5, v12  }
0xa6: {  	[tilespmem:v8+s26+$0x0] =	vst.idx.msk $0xffff, v6  }
0xa7: {  	v6 =	vld.idx.msk [tilespmem:v54+s25+$0x0], $0xffff  }
0xa8: {  	v8 =	vld.idx.msk [tilespmem:v10+s13+$0x0], $0xffff  }
0xa9: {  	s21 =	simm.s32 $0x4;
	v9 =	vld.idx.msk [tilespmem:v53+s25+$0x0], $0xffff  }
0xaa: {  	v55 =	vmov s21;
	v11 =	vld.idx.msk [tilespmem:v7+s13+$0x0], $0xffff  }
0xab: {  	v56 =	vshll.u32 v55, $0x3  }
0xac: {  	v57 =	vor.u32 v4, v56  }
0xad: {  	v15 =	vor.u32 v2, v57  }
0xae: {  	v8 =	vmul.f32 v8, v9  }
0xaf: {  	v6 =	vmul.f32 v11, v6  }
0xb0: {  	[tilespmem:v10+s26+$0x0] =	vst.idx.msk $0xffff, v8  }
0xb1: {  	[tilespmem:v7+s26+$0x0] =	vst.idx.msk $0xffff, v6  }
0xb2: {  	v6 =	vld.idx.msk [tilespmem:v15+s10+$0x0], $0xffff  }
0xb3: {  	v7 =	vld.idx.msk [tilespmem:v15+s11+$0x0], $0xffff;
	_ =	sdelay $0x4  }
0xb4: {  	v6 =	vadd.f32 v7, v6;
	_ =	sdelay $0x1  }
0xb5: {  	v7 =	vmul.f32 $2.000000030e-01, v6;
	_ =	sdelay $0x1  }
0xb6: {  	v6 =	vmax.f32 v6, v7  }
0xb7: {  	v6 =	vmul.f32 $1.442695020e+00, v6;
	_ =	sdelay $0x1  }
0xb8: {  	(erf) = vpow2.f32 v6;
	_ =	sdelay $0x4  }
0xb9: {  	v6 =	vor.u32 v3, v57  }
0xba: {  	v8 =	vor.u32 $0x1, v56;
	v7 =	vshll.u32 v55, $0x5  }
0xbb: {  	v9 =	vor.u32 v0, v7;
	_ =	sdelay $0x1  }
0xbc: {  	v7 =	vor.u32 v5, v7;
	v10 =	vpop (erf)  }
0xbd: {  	[tilespmem:v6+s25+$0x0] =	vst.idx.msk vm0, v10  }
0xbe: {  	v6 =	vld.idx.msk [tilespmem:v8+s25+$0x0], $0xffff  }
0xbf: {  	v8 =	vld.idx.msk [tilespmem:v9+s13+$0x0], $0xffff  }
0xc0: {  	v10 =	vld.idx.msk [tilespmem:v56+s25+$0x0], $0xffff  }
0xc1: {  	s21 =	simm.s32 $0x5;
	v11 =	vld.idx.msk [tilespmem:v7+s13+$0x0], $0xffff  }
0xc2: {  	v58 =	vmov s21  }
0xc3: {  	v59 =	vshll.u32 v58, $0x3  }
0xc4: {  	v60 =	vor.u32 $0x1, v59  }
0xc5: {  	v12 =	vshll.u32 v58, $0x5;
	v8 =	vmul.f32 v8, v10  }
0xc6: {  	v10 =	vor.u32 v0, v12;
	v6 =	vmul.f32 v11, v6  }
0xc7: {  	[tilespmem:v9+s26+$0x0] =	vst.idx.msk $0xffff, v8;
	v8 =	vor.u32 v5, v12  }
0xc8: {  	[tilespmem:v7+s26+$0x0] =	vst.idx.msk $0xffff, v6  }
0xc9: {  	v7 =	vld.idx.msk [tilespmem:v60+s25+$0x0], $0xffff  }
0xca: {  	v9 =	vld.idx.msk [tilespmem:v59+s25+$0x0], $0xffff  }
0xcb: {  	v6 =	vld.idx.msk [tilespmem:v10+s13+$0x0], $0xffff  }
0xcc: {  	s21 =	simm.s32 $0x6;
	v11 =	vld.idx.msk [tilespmem:v8+s13+$0x0], $0xffff  }
0xcd: {  	v61 =	vmov s21  }
0xce: {  	v62 =	vshll.u32 v61, $0x3  }
0xcf: {  	v63 =	vor.u32 $0x1, v62;
	v12 =	vshll.u32 v61, $0x5  }
0xd0: {  	v9 =	vmul.f32 v6, v9;
	v6 =	vor.u32 v0, v12  }
0xd1: {  	v11 =	vmul.f32 v11, v7  }
0xd2: {  	[tilespmem:v10+s26+$0x0] =	vst.idx.msk $0xffff, v9;
	v7 =	vor.u32 v5, v12  }
0xd3: {  	[tilespmem:v8+s26+$0x0] =	vst.idx.msk $0xffff, v11  }
0xd4: {  	v8 =	vld.idx.msk [tilespmem:v63+s25+$0x0], $0xffff  }
0xd5: {  	v9 =	vld.idx.msk [tilespmem:v6+s13+$0x0], $0xffff  }
0xd6: {  	v11 =	vld.idx.msk [tilespmem:v62+s25+$0x0], $0xffff  }
0xd7: {  	s21 =	simm.s32 $0x0;
	v10 =	vld.idx.msk [tilespmem:v7+s13+$0x0], $0xffff  }
.LBB2_3:
0xd8: {  	s21 =	sadd.s32 $0x2, s21;
	s12 =	sadd.s32 $0x7, s23;
	s23 =	sadd.s32 $0x8, s23  }
0xd9: {  	p0 =	slt.u32 s21, $0x1E;
	v12 =	vmov s12  }
0xda: {  	v13 =	vshll.u32 v12, $0x5  }
0xdb: {  	v14 =	vor.u32 v5, v13  }
0xdc: {  	v9 =	vmul.f32 v9, v11;
	v11 =	vshll.u32 v12, $0x3;
	v12 =	vor.u32 v0, v13  }
0xdd: {  	v8 =	vmul.f32 v10, v8;
	v10 =	vor.u32 $0x1, v11  }
0xde: {  	[tilespmem:v6+s26+$0x0] =	vst.idx.msk $0xffff, v9  }
0xdf: {  	[tilespmem:v7+s26+$0x0] =	vst.idx.msk $0xffff, v8  }
0xe0: {  	v6 =	vld.idx.msk [tilespmem:v14+s13+$0x0], $0xffff  }
0xe1: {  	v7 =	vld.idx.msk [tilespmem:v12+s13+$0x0], $0xffff  }
0xe2: {  	v8 =	vld.idx.msk [tilespmem:v10+s25+$0x0], $0xffff  }
0xe3: {  	v9 =	vld.idx.msk [tilespmem:v11+s25+$0x0], $0xffff;
	_ =	sdelay $0x1  }
0xe4: {  	v10 =	vmov s23  }
0xe5: {  	v11 =	vshll.u32 v10, $0x3;
	v10 =	vshll.u32 v10, $0x5  }
0xe6: {  	v13 =	vor.u32 v4, v11  }
0xe7: {  	v15 =	vor.u32 v2, v13;
	v6 =	vmul.f32 v6, v8  }
0xe8: {  	v7 =	vmul.f32 v7, v9;
	_ =	sdelay $0x1  }
0xe9: {  	[tilespmem:v12+s26+$0x0] =	vst.idx.msk $0xffff, v7  }
0xea: {  	[tilespmem:v14+s26+$0x0] =	vst.idx.msk $0xffff, v6  }
0xeb: {  	v6 =	vld.idx.msk [tilespmem:v15+s10+$0x0], $0xffff  }
0xec: {  	v7 =	vld.idx.msk [tilespmem:v15+s11+$0x0], $0xffff;
	_ =	sdelay $0x5  }
0xed: {  	v6 =	vadd.f32 v7, v6;
	_ =	sdelay $0x1  }
0xee: {  	v7 =	vmul.f32 $2.000000030e-01, v6;
	_ =	sdelay $0x1  }
0xef: {  	v6 =	vmax.f32 v6, v7  }
0xf0: {  	v6 =	vmul.f32 $1.442695020e+00, v6;
	_ =	sdelay $0x1  }
0xf1: {  	(erf) = vpow2.f32 v6;
	_ =	sdelay $0x3  }
0xf2: {  	v6 =	vor.u32 v3, v13;
	_ =	sdelay $0x1  }
0xf3: {  	v7 =	vor.u32 v5, v10  }
0xf4: {  	v8 =	vor.u32 v0, v10  }
0xf5: {  	v9 =	vor.u32 $0x1, v11  }
0xf6: {  	v10 =	vpop (erf)  }
0xf7: {  	[tilespmem:v6+s25+$0x0] =	vst.idx.msk vm0, v10  }
0xf8: {  	v6 =	vld.idx.msk [tilespmem:v7+s13+$0x0], $0xffff  }
0xf9: {  	v10 =	vld.idx.msk [tilespmem:v8+s13+$0x0], $0xffff  }
0xfa: {  	v9 =	vld.idx.msk [tilespmem:v9+s25+$0x0], $0xffff  }
0xfb: {  	v11 =	vld.idx.msk [tilespmem:v11+s25+$0x0], $0xffff;
	_ =	sdelay $0x1  }
0xfc: {  	s12 =	sadd.s32 $0x1, s23  }
0xfd: {  	v12 =	vmov s12  }
0xfe: {  	v13 =	vshll.u32 v12, $0x3;
	v12 =	vshll.u32 v12, $0x5  }
0xff: {  	v6 =	vmul.f32 v6, v9;
	v9 =	vor.u32 $0x1, v13  }
0x100: {  	v10 =	vmul.f32 v10, v11;
	v11 =	vor.u32 v0, v12;
	_ =	sdelay $0x1  }
0x101: {  	[tilespmem:v8+s26+$0x0] =	vst.idx.msk $0xffff, v10;
	v8 =	vor.u32 v5, v12  }
0x102: {  	[tilespmem:v7+s26+$0x0] =	vst.idx.msk $0xffff, v6  }
0x103: {  	v6 =	vld.idx.msk [tilespmem:v9+s25+$0x0], $0xffff  }
0x104: {  	v7 =	vld.idx.msk [tilespmem:v11+s13+$0x0], $0xffff  }
0x105: {  	v9 =	vld.idx.msk [tilespmem:v13+s25+$0x0], $0xffff  }
0x106: {  	v10 =	vld.idx.msk [tilespmem:v8+s13+$0x0], $0xffff  }
0x107: {  	s12 =	sadd.s32 $0x2, s23  }
0x108: {  	v12 =	vmov s12  }
0x109: {  	v13 =	vshll.u32 v12, $0x3;
	v12 =	vshll.u32 v12, $0x5  }
0x10a: {  	v14 =	vor.u32 $0x1, v13  }
0x10b: {  	v7 =	vmul.f32 v7, v9;
	v9 =	vor.u32 v0, v12  }
0x10c: {  	v6 =	vmul.f32 v10, v6  }
0x10d: {  	[tilespmem:v11+s26+$0x0] =	vst.idx.msk $0xffff, v7;
	v7 =	vor.u32 v5, v12  }
0x10e: {  	[tilespmem:v8+s26+$0x0] =	vst.idx.msk $0xffff, v6  }
0x10f: {  	v6 =	vld.idx.msk [tilespmem:v14+s25+$0x0], $0xffff  }
0x110: {  	v8 =	vld.idx.msk [tilespmem:v9+s13+$0x0], $0xffff  }
0x111: {  	v10 =	vld.idx.msk [tilespmem:v13+s25+$0x0], $0xffff  }
0x112: {  	v11 =	vld.idx.msk [tilespmem:v7+s13+$0x0], $0xffff  }
0x113: {  	s12 =	sadd.s32 $0x3, s23  }
0x114: {  	v12 =	vmov s12  }
0x115: {  	v13 =	vshll.u32 v12, $0x3;
	v12 =	vshll.u32 v12, $0x5  }
0x116: {  	v14 =	vor.u32 $0x1, v13  }
0x117: {  	v8 =	vmul.f32 v8, v10;
	v10 =	vor.u32 v0, v12  }
0x118: {  	v6 =	vmul.f32 v11, v6  }
0x119: {  	[tilespmem:v9+s26+$0x0] =	vst.idx.msk $0xffff, v8;
	v8 =	vor.u32 v5, v12  }
0x11a: {  	[tilespmem:v7+s26+$0x0] =	vst.idx.msk $0xffff, v6  }
0x11b: {  	v6 =	vld.idx.msk [tilespmem:v14+s25+$0x0], $0xffff  }
0x11c: {  	v7 =	vld.idx.msk [tilespmem:v10+s13+$0x0], $0xffff  }
0x11d: {  	v9 =	vld.idx.msk [tilespmem:v13+s25+$0x0], $0xffff  }
0x11e: {  	s12 =	sadd.s32 $0x4, s23;
	v11 =	vld.idx.msk [tilespmem:v8+s13+$0x0], $0xffff  }
0x11f: {  	v12 =	vmov s12  }
0x120: {  	v13 =	vshll.u32 v12, $0x3;
	v12 =	vshll.u32 v12, $0x5  }
0x121: {  	v14 =	vor.u32 v4, v13  }
0x122: {  	v15 =	vor.u32 v2, v14  }
0x123: {  	v7 =	vmul.f32 v7, v9  }
0x124: {  	v6 =	vmul.f32 v11, v6  }
0x125: {  	[tilespmem:v10+s26+$0x0] =	vst.idx.msk $0xffff, v7  }
0x126: {  	[tilespmem:v8+s26+$0x0] =	vst.idx.msk $0xffff, v6  }
0x127: {  	v6 =	vld.idx.msk [tilespmem:v15+s10+$0x0], $0xffff  }
0x128: {  	v7 =	vld.idx.msk [tilespmem:v15+s11+$0x0], $0xffff;
	_ =	sdelay $0x5  }
0x129: {  	v6 =	vadd.f32 v7, v6;
	_ =	sdelay $0x1  }
0x12a: {  	v7 =	vmul.f32 $2.000000030e-01, v6;
	_ =	sdelay $0x1  }
0x12b: {  	v6 =	vmax.f32 v6, v7  }
0x12c: {  	v6 =	vmul.f32 $1.442695020e+00, v6;
	_ =	sdelay $0x1  }
0x12d: {  	(erf) = vpow2.f32 v6;
	_ =	sdelay $0x4  }
0x12e: {  	v6 =	vor.u32 v3, v14  }
0x12f: {  	v7 =	vor.u32 $0x1, v13  }
0x130: {  	v8 =	vor.u32 v0, v12;
	_ =	sdelay $0x1  }
0x131: {  	v9 =	vor.u32 v5, v12;
	v10 =	vpop (erf)  }
0x132: {  	[tilespmem:v6+s25+$0x0] =	vst.idx.msk vm0, v10  }
0x133: {  	v6 =	vld.idx.msk [tilespmem:v7+s25+$0x0], $0xffff  }
0x134: {  	v7 =	vld.idx.msk [tilespmem:v8+s13+$0x0], $0xffff  }
0x135: {  	v10 =	vld.idx.msk [tilespmem:v13+s25+$0x0], $0xffff  }
0x136: {  	v11 =	vld.idx.msk [tilespmem:v9+s13+$0x0], $0xffff  }
0x137: {  	s12 =	sadd.s32 $0x5, s23  }
0x138: {  	v12 =	vmov s12  }
0x139: {  	v13 =	vshll.u32 v12, $0x3;
	v12 =	vshll.u32 v12, $0x5  }
0x13a: {  	v14 =	vor.u32 $0x1, v13  }
0x13b: {  	v7 =	vmul.f32 v7, v10;
	v10 =	vor.u32 v0, v12  }
0x13c: {  	v6 =	vmul.f32 v11, v6  }
0x13d: {  	[tilespmem:v8+s26+$0x0] =	vst.idx.msk $0xffff, v7;
	v8 =	vor.u32 v5, v12  }
0x13e: {  	[tilespmem:v9+s26+$0x0] =	vst.idx.msk $0xffff, v6  }
0x13f: {  	v7 =	vld.idx.msk [tilespmem:v14+s25+$0x0], $0xffff  }
0x140: {  	v6 =	vld.idx.msk [tilespmem:v10+s13+$0x0], $0xffff  }
0x141: {  	v9 =	vld.idx.msk [tilespmem:v13+s25+$0x0], $0xffff  }
0x142: {  	v11 =	vld.idx.msk [tilespmem:v8+s13+$0x0], $0xffff  }
0x143: {  	s12 =	sadd.s32 $0x6, s23  }
0x144: {  	v12 =	vmov s12  }
0x145: {  	v13 =	vshll.u32 v12, $0x3;
	v12 =	vshll.u32 v12, $0x5  }
0x146: {  	v14 =	vor.u32 $0x1, v13  }
0x147: {  	v9 =	vmul.f32 v6, v9;
	v6 =	vor.u32 v0, v12  }
0x148: {  	v11 =	vmul.f32 v11, v7  }
0x149: {  	v7 =	vor.u32 v5, v12;
	[tilespmem:v10+s26+$0x0] =	vst.idx.msk $0xffff, v9  }
.Ltmp0:
0x14a: {  	[tilespmem:v8+s26+$0x0] =	vst.idx.msk $0xffff, v11;
	(pc) =	sbr.rel @p0 .LBB2_3-.Ltmp0, $4  }
0x14b: {  	v8 =	vld.idx.msk [tilespmem:v14+s25+$0x0], $0xffff  }
0x14c: {  	v9 =	vld.idx.msk [tilespmem:v6+s13+$0x0], $0xffff  }
0x14d: {  	v11 =	vld.idx.msk [tilespmem:v13+s25+$0x0], $0xffff  }
0x14e: {  	v10 =	vld.idx.msk [tilespmem:v7+s13+$0x0], $0xffff  }
0x14f: {  	s12 =	sadd.s32 $0x7, s23  }
0x150: {  	v12 =	vmov s12  }
0x151: {  	v13 =	vshll.u32 v12, $0x5;
	v12 =	vshll.u32 v12, $0x3  }
0x152: {  	v14 =	vor.u32 v5, v13;
	v9 =	vmul.f32 v9, v11  }
0x153: {  	v11 =	vor.u32 v0, v13;
	v8 =	vmul.f32 v10, v8  }
0x154: {  	v10 =	vor.u32 $0x1, v12;
	[tilespmem:v6+s26+$0x0] =	vst.idx.msk $0xffff, v9  }
0x155: {  	[tilespmem:v7+s26+$0x0] =	vst.idx.msk $0xffff, v8  }
0x156: {  	v8 =	vld.idx.msk [tilespmem:v12+s25+$0x0], $0xffff  }
0x157: {  	v6 =	vld.idx.msk [tilespmem:v14+s13+$0x0], $0xffff  }
0x158: {  	v7 =	vld.idx.msk [tilespmem:v11+s13+$0x0], $0xffff  }
0x159: {  	v9 =	vld.idx.msk [tilespmem:v10+s25+$0x0], $0xffff;
	_ =	sdelay $0x3  }
0x15a: {  	v7 =	vmul.f32 v7, v8  }
0x15b: {  	v6 =	vmul.f32 v6, v9  }
0x15c: {  	[tilespmem:v11+s26+$0x0] =	vst.idx.msk $0xffff, v7  }
0x15d: {  	[tilespmem:v14+s26+$0x0] =	vst.idx.msk $0xffff, v6  }
0x15e: {  	[spmem:s1] =	stream.indirect.scatter.add.f32 [tilespmem:s26], [sflag:$0x3], $0x20, s8, s9, $0xb8;
	[tilespmem:$0x1FC00] =	vst v63  }
0x15f: {  	_ = 	snop  }
0x160: {  	[spmem:s2] =	stream.indirect.scatter.add.f32 [tilespmem:s25], [sflag:$0x3], $0x2, s8, s9, $0xb8;
	[tilespmem:$0x1FC00] =	vst v63  }
0x161: {  	_ =	swait.ge [sflag:s30], $0x1000  }
0x162: {  	[sflag:s30] =	ssyncset.done $0x0  }
0x163: {  	[sflag:s30] =	ssyncadd.s32 $0xFFFFF000  }
0x164: {  	s0 =	sadd.s32 s0, s29;
	_ =	swait.ge [sflag:s30], $0x100  }
0x165: {  	s23 =	sshrl.u32 s0, $0x3;
	[sflag:s30] =	ssyncset.done $0x0  }
0x166: {  	s0 =	simm.s32 $0x0;
	s21 =	sadd.s32 s5, s23;
	[sflag:s30] =	ssyncadd.s32 $0xFFFFFF00  }
0x167: {  	[tilespmem:s7], [sflag:$0x5] =	stream.linear.gather [hbm4b:s21+s0], $0x80, $0x38;
	[tilespmem:$0x1FC00] =	vst v63  }
0x168: {  	_ =	swait.ge [sflag:s3], $0x80  }
0x169: {  	[sflag:s3] =	ssyncset.done $0x0  }
0x16a: {  	s12 =	sadd.s32 s6, s23;
	[sflag:s3] =	ssyncadd.s32 $0xFFFFFF80  }
0x16b: {  	[tilespmem:s8], [sflag:$0x5] =	stream.linear.gather [hbm4b:s12+s0], $0x80, $0x38;
	[tilespmem:$0x1FC00] =	vst v63  }
0x16c: {  	_ =	swait.ge [sflag:s3], $0x80  }
0x16d: {  	[sflag:s3] =	ssyncset.done $0x0  }
0x16e: {  	[sflag:s3] =	ssyncadd.s32 $0xFFFFFF80  }
0x16f: {  	v6 =	vld [tilespmem:$0x1A080]  }
0x170: {  	v7 =	vld [tilespmem:$0x1A090]  }
0x171: {  	v8 =	vld [tilespmem:$0x1A0A0]  }
0x172: {  	v9 =	vld [tilespmem:$0x1A0B0]  }
0x173: {  	v10 =	vld [tilespmem:$0x1A0C0]  }
0x174: {  	v11 =	vld [tilespmem:$0x1A0D0];
	v6 =	vadd.s32 v1, v6  }
0x175: {  	[tilespmem:$0x1A280] =	vst v6;
	v6 =	vadd.s32 v1, v7;
	v7 =	vld [tilespmem:$0x1A0E0]  }
0x176: {  	[tilespmem:$0x1A290] =	vst v6;
	v6 =	vadd.s32 v1, v8;
	v8 =	vld [tilespmem:$0x1A0F0]  }
0x177: {  	[tilespmem:$0x1A2A0] =	vst v6;
	v6 =	vadd.s32 v1, v9  }
0x178: {  	[tilespmem:$0x1A2B0] =	vst v6;
	v6 =	vadd.s32 v1, v10  }
0x179: {  	[tilespmem:$0x1A2C0] =	vst v6;
	v6 =	vadd.s32 v1, v11  }
0x17a: {  	[tilespmem:$0x1A2D0] =	vst v6;
	v6 =	vadd.s32 v1, v7  }
0x17b: {  	[tilespmem:$0x1A2E0] =	vst v6;
	v6 =	vadd.s32 v1, v8  }
0x17c: {  	[tilespmem:$0x1A2F0] =	vst v6  }
0x17d: {  	[tilespmem:s10], [sflag:$0x1] =	stream.indirect.gather [hbm4b:s15+s9], $0x4, s7, s9, $0xb8;
	[tilespmem:$0x1FC00] =	vst v63  }
0x17e: {  	_ = 	snop  }
0x17f: {  	[tilespmem:s11], [sflag:$0x1] =	stream.indirect.gather [hbm4b:s16+s9], $0x4, s8, s9, $0xb8;
	[tilespmem:$0x1FC00] =	vst v63  }
0x180: {  	s23 =	simm.s32 $0x1A280  }
0x181: {  	[tilespmem:s13], [sflag:$0x1] =	stream.indirect.gather [hbm4b:s17+s9], $0x20, s23, s9, $0xb8;
	[tilespmem:$0x1FC00] =	vst v63  }
0x182: {  	_ =	swait.ge [sflag:s31], $0x200  }
0x183: {  	v6 =	vmov s0;
	[sflag:s31] =	ssyncset.done $0x0  }
0x184: {  	v7 =	vshll.u32 v6, $0x3;
	[sflag:s31] =	ssyncadd.s32 $0xFFFFFE00  }
0x185: {  	v8 =	vor.u32 v4, v7;
	_ =	swait.ge [sflag:s31], $0x200  }
0x186: {  	v9 =	vor.u32 v2, v8;
	[sflag:s31] =	ssyncset.done $0x0  }
0x187: {  	[sflag:s31] =	ssyncadd.s32 $0xFFFFFE00  }
0x188: {  	_ =	swait.ge [sflag:s31], $0x1000  }
0x189: {  	[sflag:s31] =	ssyncset.done $0x0  }
0x18a: {  	[sflag:s31] =	ssyncadd.s32 $0xFFFFF000  }
0x18b: {  	v10 =	vld.idx.msk [tilespmem:v9+s19+$0x0], $0xffff  }
0x18c: {  	v9 =	vld.idx.msk [tilespmem:v9+s20+$0x0], $0xffff;
	_ =	sdelay $0x4  }
0x18d: {  	v9 =	vadd.f32 v9, v10;
	_ =	sdelay $0x1  }
0x18e: {  	v10 =	vmul.f32 $2.000000030e-01, v9;
	_ =	sdelay $0x1  }
0x18f: {  	v9 =	vmax.f32 v9, v10  }
0x190: {  	v9 =	vmul.f32 $1.442695020e+00, v9;
	_ =	sdelay $0x1  }
0x191: {  	(erf) = vpow2.f32 v9;
	_ =	sdelay $0x4  }
0x192: {  	v6 =	vshll.u32 v6, $0x5;
	v8 =	vor.u32 v3, v8  }
0x193: {  	v9 =	vor.u32 v5, v6  }
0x194: {  	v6 =	vor.u32 v0, v6;
	_ =	sdelay $0x1  }
0x195: {  	v10 =	vor.u32 $0x1, v7;
	v11 =	vpop (erf)  }
0x196: {  	[tilespmem:v8+s25+$0x0] =	vst.idx.msk vm0, v11  }
0x197: {  	v8 =	vld.idx.msk [tilespmem:v9+s22+$0x0], $0xffff  }
0x198: {  	v11 =	vld.idx.msk [tilespmem:v6+s22+$0x0], $0xffff  }
0x199: {  	v7 =	vld.idx.msk [tilespmem:v7+s25+$0x0], $0xffff  }
0x19a: {  	s21 =	simm.s32 $0x1;
	v10 =	vld.idx.msk [tilespmem:v10+s25+$0x0], $0xffff  }
0x19b: {  	v46 =	vmov s21  }
0x19c: {  	v47 =	vshll.u32 v46, $0x3  }
0x19d: {  	v48 =	vor.u32 $0x1, v47  }
0x19e: {  	v12 =	vshll.u32 v46, $0x5;
	v7 =	vmul.f32 v11, v7  }
0x19f: {  	v11 =	vor.u32 v0, v12;
	v8 =	vmul.f32 v8, v10  }
0x1a0: {  	[tilespmem:v6+s26+$0x0] =	vst.idx.msk $0xffff, v7;
	v6 =	vor.u32 v5, v12  }
0x1a1: {  	[tilespmem:v9+s26+$0x0] =	vst.idx.msk $0xffff, v8  }
0x1a2: {  	v7 =	vld.idx.msk [tilespmem:v48+s25+$0x0], $0xffff  }
0x1a3: {  	v9 =	vld.idx.msk [tilespmem:v47+s25+$0x0], $0xffff  }
0x1a4: {  	v8 =	vld.idx.msk [tilespmem:v11+s22+$0x0], $0xffff  }
0x1a5: {  	s23 =	simm.s32 $0x2;
	v10 =	vld.idx.msk [tilespmem:v6+s22+$0x0], $0xffff  }
0x1a6: {  	v49 =	vmov s23  }
0x1a7: {  	v50 =	vshll.u32 v49, $0x3  }
0x1a8: {  	v51 =	vor.u32 $0x1, v50;
	v12 =	vshll.u32 v49, $0x5  }
0x1a9: {  	v8 =	vmul.f32 v8, v9;
	v9 =	vor.u32 v0, v12  }
0x1aa: {  	v7 =	vmul.f32 v10, v7  }
0x1ab: {  	[tilespmem:v11+s26+$0x0] =	vst.idx.msk $0xffff, v8;
	v8 =	vor.u32 v5, v12  }
0x1ac: {  	[tilespmem:v6+s26+$0x0] =	vst.idx.msk $0xffff, v7  }
0x1ad: {  	v6 =	vld.idx.msk [tilespmem:v51+s25+$0x0], $0xffff  }
0x1ae: {  	v7 =	vld.idx.msk [tilespmem:v9+s22+$0x0], $0xffff  }
0x1af: {  	v10 =	vld.idx.msk [tilespmem:v50+s25+$0x0], $0xffff  }
0x1b0: {  	s21 =	simm.s32 $0x3;
	v11 =	vld.idx.msk [tilespmem:v8+s22+$0x0], $0xffff  }
0x1b1: {  	v52 =	vmov s21  }
0x1b2: {  	v53 =	vshll.u32 v52, $0x3  }
0x1b3: {  	v54 =	vor.u32 $0x1, v53;
	v12 =	vshll.u32 v52, $0x5  }
0x1b4: {  	v7 =	vmul.f32 v7, v10;
	v10 =	vor.u32 v0, v12  }
0x1b5: {  	v6 =	vmul.f32 v11, v6  }
0x1b6: {  	[tilespmem:v9+s26+$0x0] =	vst.idx.msk $0xffff, v7;
	v7 =	vor.u32 v5, v12  }
0x1b7: {  	[tilespmem:v8+s26+$0x0] =	vst.idx.msk $0xffff, v6  }
0x1b8: {  	v6 =	vld.idx.msk [tilespmem:v54+s25+$0x0], $0xffff  }
0x1b9: {  	v8 =	vld.idx.msk [tilespmem:v10+s22+$0x0], $0xffff  }
0x1ba: {  	s23 =	simm.s32 $0x4;
	v9 =	vld.idx.msk [tilespmem:v53+s25+$0x0], $0xffff  }
0x1bb: {  	v55 =	vmov s23;
	v11 =	vld.idx.msk [tilespmem:v7+s22+$0x0], $0xffff  }
0x1bc: {  	v56 =	vshll.u32 v55, $0x3  }
0x1bd: {  	v57 =	vor.u32 v4, v56  }
0x1be: {  	v15 =	vor.u32 v2, v57  }
0x1bf: {  	v8 =	vmul.f32 v8, v9  }
0x1c0: {  	v6 =	vmul.f32 v11, v6  }
0x1c1: {  	[tilespmem:v10+s26+$0x0] =	vst.idx.msk $0xffff, v8  }
0x1c2: {  	[tilespmem:v7+s26+$0x0] =	vst.idx.msk $0xffff, v6  }
0x1c3: {  	v6 =	vld.idx.msk [tilespmem:v15+s19+$0x0], $0xffff  }
0x1c4: {  	v7 =	vld.idx.msk [tilespmem:v15+s20+$0x0], $0xffff;
	_ =	sdelay $0x4  }
0x1c5: {  	v6 =	vadd.f32 v7, v6;
	_ =	sdelay $0x1  }
0x1c6: {  	v7 =	vmul.f32 $2.000000030e-01, v6;
	_ =	sdelay $0x1  }
0x1c7: {  	v6 =	vmax.f32 v6, v7  }
0x1c8: {  	v6 =	vmul.f32 $1.442695020e+00, v6;
	_ =	sdelay $0x1  }
0x1c9: {  	(erf) = vpow2.f32 v6;
	_ =	sdelay $0x4  }
0x1ca: {  	v6 =	vor.u32 v3, v57  }
0x1cb: {  	v8 =	vor.u32 $0x1, v56;
	v7 =	vshll.u32 v55, $0x5  }
0x1cc: {  	v9 =	vor.u32 v0, v7;
	_ =	sdelay $0x1  }
0x1cd: {  	v7 =	vor.u32 v5, v7;
	v10 =	vpop (erf)  }
0x1ce: {  	[tilespmem:v6+s25+$0x0] =	vst.idx.msk vm0, v10  }
0x1cf: {  	v6 =	vld.idx.msk [tilespmem:v8+s25+$0x0], $0xffff  }
0x1d0: {  	v8 =	vld.idx.msk [tilespmem:v9+s22+$0x0], $0xffff  }
0x1d1: {  	v10 =	vld.idx.msk [tilespmem:v56+s25+$0x0], $0xffff  }
0x1d2: {  	s21 =	simm.s32 $0x5;
	v11 =	vld.idx.msk [tilespmem:v7+s22+$0x0], $0xffff  }
0x1d3: {  	v58 =	vmov s21  }
0x1d4: {  	v59 =	vshll.u32 v58, $0x3  }
0x1d5: {  	v60 =	vor.u32 $0x1, v59  }
0x1d6: {  	v12 =	vshll.u32 v58, $0x5;
	v8 =	vmul.f32 v8, v10  }
0x1d7: {  	v10 =	vor.u32 v0, v12;
	v6 =	vmul.f32 v11, v6  }
0x1d8: {  	[tilespmem:v9+s26+$0x0] =	vst.idx.msk $0xffff, v8;
	v8 =	vor.u32 v5, v12  }
0x1d9: {  	[tilespmem:v7+s26+$0x0] =	vst.idx.msk $0xffff, v6  }
0x1da: {  	v7 =	vld.idx.msk [tilespmem:v60+s25+$0x0], $0xffff  }
0x1db: {  	v9 =	vld.idx.msk [tilespmem:v59+s25+$0x0], $0xffff  }
0x1dc: {  	v6 =	vld.idx.msk [tilespmem:v10+s22+$0x0], $0xffff  }
0x1dd: {  	s23 =	simm.s32 $0x6;
	v11 =	vld.idx.msk [tilespmem:v8+s22+$0x0], $0xffff  }
0x1de: {  	v61 =	vmov s23  }
0x1df: {  	v62 =	vshll.u32 v61, $0x3  }
0x1e0: {  	v63 =	vor.u32 $0x1, v62;
	v12 =	vshll.u32 v61, $0x5  }
0x1e1: {  	v9 =	vmul.f32 v6, v9;
	v6 =	vor.u32 v0, v12  }
0x1e2: {  	v11 =	vmul.f32 v11, v7  }
0x1e3: {  	[tilespmem:v10+s26+$0x0] =	vst.idx.msk $0xffff, v9;
	v7 =	vor.u32 v5, v12  }
0x1e4: {  	[tilespmem:v8+s26+$0x0] =	vst.idx.msk $0xffff, v11  }
0x1e5: {  	v8 =	vld.idx.msk [tilespmem:v63+s25+$0x0], $0xffff  }
0x1e6: {  	v9 =	vld.idx.msk [tilespmem:v6+s22+$0x0], $0xffff  }
0x1e7: {  	v11 =	vld.idx.msk [tilespmem:v62+s25+$0x0], $0xffff  }
0x1e8: {  	s21 =	simm.s32 $0x0;
	v10 =	vld.idx.msk [tilespmem:v7+s22+$0x0], $0xffff  }
.LBB2_5:
0x1e9: {  	s21 =	sadd.s32 $0x2, s21;
	s12 =	sadd.s32 $0x7, s0;
	s0 =	sadd.s32 $0x8, s0  }
0x1ea: {  	p0 =	slt.u32 s21, $0x1E;
	v12 =	vmov s12  }
0x1eb: {  	v13 =	vshll.u32 v12, $0x5  }
0x1ec: {  	v14 =	vor.u32 v5, v13  }
0x1ed: {  	v9 =	vmul.f32 v9, v11;
	v11 =	vshll.u32 v12, $0x3;
	v12 =	vor.u32 v0, v13  }
0x1ee: {  	v8 =	vmul.f32 v10, v8;
	v10 =	vor.u32 $0x1, v11  }
0x1ef: {  	[tilespmem:v6+s26+$0x0] =	vst.idx.msk $0xffff, v9  }
0x1f0: {  	[tilespmem:v7+s26+$0x0] =	vst.idx.msk $0xffff, v8  }
0x1f1: {  	v6 =	vld.idx.msk [tilespmem:v14+s22+$0x0], $0xffff  }
0x1f2: {  	v7 =	vld.idx.msk [tilespmem:v12+s22+$0x0], $0xffff  }
0x1f3: {  	v8 =	vld.idx.msk [tilespmem:v10+s25+$0x0], $0xffff  }
0x1f4: {  	v9 =	vld.idx.msk [tilespmem:v11+s25+$0x0], $0xffff;
	_ =	sdelay $0x1  }
0x1f5: {  	v10 =	vmov s0  }
0x1f6: {  	v11 =	vshll.u32 v10, $0x3;
	v10 =	vshll.u32 v10, $0x5  }
0x1f7: {  	v13 =	vor.u32 v4, v11  }
0x1f8: {  	v15 =	vor.u32 v2, v13;
	v6 =	vmul.f32 v6, v8  }
0x1f9: {  	v7 =	vmul.f32 v7, v9;
	_ =	sdelay $0x1  }
0x1fa: {  	[tilespmem:v12+s26+$0x0] =	vst.idx.msk $0xffff, v7  }
0x1fb: {  	[tilespmem:v14+s26+$0x0] =	vst.idx.msk $0xffff, v6  }
0x1fc: {  	v6 =	vld.idx.msk [tilespmem:v15+s19+$0x0], $0xffff  }
0x1fd: {  	v7 =	vld.idx.msk [tilespmem:v15+s20+$0x0], $0xffff;
	_ =	sdelay $0x5  }
0x1fe: {  	v6 =	vadd.f32 v7, v6;
	_ =	sdelay $0x1  }
0x1ff: {  	v7 =	vmul.f32 $2.000000030e-01, v6;
	_ =	sdelay $0x1  }
0x200: {  	v6 =	vmax.f32 v6, v7  }
0x201: {  	v6 =	vmul.f32 $1.442695020e+00, v6;
	_ =	sdelay $0x1  }
0x202: {  	(erf) = vpow2.f32 v6;
	_ =	sdelay $0x3  }
0x203: {  	v6 =	vor.u32 v3, v13;
	_ =	sdelay $0x1  }
0x204: {  	v7 =	vor.u32 v5, v10  }
0x205: {  	v8 =	vor.u32 v0, v10  }
0x206: {  	v9 =	vor.u32 $0x1, v11  }
0x207: {  	v10 =	vpop (erf)  }
0x208: {  	[tilespmem:v6+s25+$0x0] =	vst.idx.msk vm0, v10  }
0x209: {  	v6 =	vld.idx.msk [tilespmem:v7+s22+$0x0], $0xffff  }
0x20a: {  	v10 =	vld.idx.msk [tilespmem:v8+s22+$0x0], $0xffff  }
0x20b: {  	v9 =	vld.idx.msk [tilespmem:v9+s25+$0x0], $0xffff  }
0x20c: {  	v11 =	vld.idx.msk [tilespmem:v11+s25+$0x0], $0xffff;
	_ =	sdelay $0x1  }
0x20d: {  	s12 =	sadd.s32 $0x1, s0  }
0x20e: {  	v12 =	vmov s12  }
0x20f: {  	v13 =	vshll.u32 v12, $0x3;
	v12 =	vshll.u32 v12, $0x5  }
0x210: {  	v6 =	vmul.f32 v6, v9;
	v9 =	vor.u32 $0x1, v13  }
0x211: {  	v10 =	vmul.f32 v10, v11;
	v11 =	vor.u32 v0, v12;
	_ =	sdelay $0x1  }
0x212: {  	[tilespmem:v8+s26+$0x0] =	vst.idx.msk $0xffff, v10;
	v8 =	vor.u32 v5, v12  }
0x213: {  	[tilespmem:v7+s26+$0x0] =	vst.idx.msk $0xffff, v6  }
0x214: {  	v6 =	vld.idx.msk [tilespmem:v9+s25+$0x0], $0xffff  }
0x215: {  	v7 =	vld.idx.msk [tilespmem:v11+s22+$0x0], $0xffff  }
0x216: {  	v9 =	vld.idx.msk [tilespmem:v13+s25+$0x0], $0xffff  }
0x217: {  	v10 =	vld.idx.msk [tilespmem:v8+s22+$0x0], $0xffff  }
0x218: {  	s12 =	sadd.s32 $0x2, s0  }
0x219: {  	v12 =	vmov s12  }
0x21a: {  	v13 =	vshll.u32 v12, $0x3;
	v12 =	vshll.u32 v12, $0x5  }
0x21b: {  	v14 =	vor.u32 $0x1, v13  }
0x21c: {  	v7 =	vmul.f32 v7, v9;
	v9 =	vor.u32 v0, v12  }
0x21d: {  	v6 =	vmul.f32 v10, v6  }
0x21e: {  	[tilespmem:v11+s26+$0x0] =	vst.idx.msk $0xffff, v7;
	v7 =	vor.u32 v5, v12  }
0x21f: {  	[tilespmem:v8+s26+$0x0] =	vst.idx.msk $0xffff, v6  }
0x220: {  	v6 =	vld.idx.msk [tilespmem:v14+s25+$0x0], $0xffff  }
0x221: {  	v8 =	vld.idx.msk [tilespmem:v9+s22+$0x0], $0xffff  }
0x222: {  	v10 =	vld.idx.msk [tilespmem:v13+s25+$0x0], $0xffff  }
0x223: {  	v11 =	vld.idx.msk [tilespmem:v7+s22+$0x0], $0xffff  }
0x224: {  	s12 =	sadd.s32 $0x3, s0  }
0x225: {  	v12 =	vmov s12  }
0x226: {  	v13 =	vshll.u32 v12, $0x3;
	v12 =	vshll.u32 v12, $0x5  }
0x227: {  	v14 =	vor.u32 $0x1, v13  }
0x228: {  	v8 =	vmul.f32 v8, v10;
	v10 =	vor.u32 v0, v12  }
0x229: {  	v6 =	vmul.f32 v11, v6  }
0x22a: {  	[tilespmem:v9+s26+$0x0] =	vst.idx.msk $0xffff, v8;
	v8 =	vor.u32 v5, v12  }
0x22b: {  	[tilespmem:v7+s26+$0x0] =	vst.idx.msk $0xffff, v6  }
0x22c: {  	v6 =	vld.idx.msk [tilespmem:v14+s25+$0x0], $0xffff  }
0x22d: {  	v7 =	vld.idx.msk [tilespmem:v10+s22+$0x0], $0xffff  }
0x22e: {  	v9 =	vld.idx.msk [tilespmem:v13+s25+$0x0], $0xffff  }
0x22f: {  	s12 =	sadd.s32 $0x4, s0;
	v11 =	vld.idx.msk [tilespmem:v8+s22+$0x0], $0xffff  }
0x230: {  	v12 =	vmov s12  }
0x231: {  	v13 =	vshll.u32 v12, $0x3;
	v12 =	vshll.u32 v12, $0x5  }
0x232: {  	v14 =	vor.u32 v4, v13  }
0x233: {  	v15 =	vor.u32 v2, v14  }
0x234: {  	v7 =	vmul.f32 v7, v9  }
0x235: {  	v6 =	vmul.f32 v11, v6  }
0x236: {  	[tilespmem:v10+s26+$0x0] =	vst.idx.msk $0xffff, v7  }
0x237: {  	[tilespmem:v8+s26+$0x0] =	vst.idx.msk $0xffff, v6  }
0x238: {  	v6 =	vld.idx.msk [tilespmem:v15+s19+$0x0], $0xffff  }
0x239: {  	v7 =	vld.idx.msk [tilespmem:v15+s20+$0x0], $0xffff;
	_ =	sdelay $0x5  }
0x23a: {  	v6 =	vadd.f32 v7, v6;
	_ =	sdelay $0x1  }
0x23b: {  	v7 =	vmul.f32 $2.000000030e-01, v6;
	_ =	sdelay $0x1  }
0x23c: {  	v6 =	vmax.f32 v6, v7  }
0x23d: {  	v6 =	vmul.f32 $1.442695020e+00, v6;
	_ =	sdelay $0x1  }
0x23e: {  	(erf) = vpow2.f32 v6;
	_ =	sdelay $0x4  }
0x23f: {  	v6 =	vor.u32 v3, v14  }
0x240: {  	v7 =	vor.u32 $0x1, v13  }
0x241: {  	v8 =	vor.u32 v0, v12;
	_ =	sdelay $0x1  }
0x242: {  	v9 =	vor.u32 v5, v12;
	v10 =	vpop (erf)  }
0x243: {  	[tilespmem:v6+s25+$0x0] =	vst.idx.msk vm0, v10  }
0x244: {  	v6 =	vld.idx.msk [tilespmem:v7+s25+$0x0], $0xffff  }
0x245: {  	v7 =	vld.idx.msk [tilespmem:v8+s22+$0x0], $0xffff  }
0x246: {  	v10 =	vld.idx.msk [tilespmem:v13+s25+$0x0], $0xffff  }
0x247: {  	v11 =	vld.idx.msk [tilespmem:v9+s22+$0x0], $0xffff  }
0x248: {  	s12 =	sadd.s32 $0x5, s0  }
0x249: {  	v12 =	vmov s12  }
0x24a: {  	v13 =	vshll.u32 v12, $0x3;
	v12 =	vshll.u32 v12, $0x5  }
0x24b: {  	v14 =	vor.u32 $0x1, v13  }
0x24c: {  	v7 =	vmul.f32 v7, v10;
	v10 =	vor.u32 v0, v12  }
0x24d: {  	v6 =	vmul.f32 v11, v6  }
0x24e: {  	[tilespmem:v8+s26+$0x0] =	vst.idx.msk $0xffff, v7;
	v8 =	vor.u32 v5, v12  }
0x24f: {  	[tilespmem:v9+s26+$0x0] =	vst.idx.msk $0xffff, v6  }
0x250: {  	v7 =	vld.idx.msk [tilespmem:v14+s25+$0x0], $0xffff  }
0x251: {  	v6 =	vld.idx.msk [tilespmem:v10+s22+$0x0], $0xffff  }
0x252: {  	v9 =	vld.idx.msk [tilespmem:v13+s25+$0x0], $0xffff  }
0x253: {  	v11 =	vld.idx.msk [tilespmem:v8+s22+$0x0], $0xffff  }
0x254: {  	s12 =	sadd.s32 $0x6, s0  }
0x255: {  	v12 =	vmov s12  }
0x256: {  	v13 =	vshll.u32 v12, $0x3;
	v12 =	vshll.u32 v12, $0x5  }
0x257: {  	v14 =	vor.u32 $0x1, v13  }
0x258: {  	v9 =	vmul.f32 v6, v9;
	v6 =	vor.u32 v0, v12  }
0x259: {  	v11 =	vmul.f32 v11, v7  }
0x25a: {  	v7 =	vor.u32 v5, v12;
	[tilespmem:v10+s26+$0x0] =	vst.idx.msk $0xffff, v9  }
.Ltmp1:
0x25b: {  	[tilespmem:v8+s26+$0x0] =	vst.idx.msk $0xffff, v11;
	(pc) =	sbr.rel @p0 .LBB2_5-.Ltmp1, $4  }
0x25c: {  	v8 =	vld.idx.msk [tilespmem:v14+s25+$0x0], $0xffff  }
0x25d: {  	v9 =	vld.idx.msk [tilespmem:v6+s22+$0x0], $0xffff  }
0x25e: {  	v11 =	vld.idx.msk [tilespmem:v13+s25+$0x0], $0xffff  }
0x25f: {  	v10 =	vld.idx.msk [tilespmem:v7+s22+$0x0], $0xffff  }
0x260: {  	s0 =	sadd.s32 $0x7, s0  }
0x261: {  	v12 =	vmov s0  }
0x262: {  	v13 =	vshll.u32 v12, $0x5;
	v12 =	vshll.u32 v12, $0x3  }
0x263: {  	v14 =	vor.u32 v5, v13;
	v9 =	vmul.f32 v9, v11  }
0x264: {  	v62 =	vor.u32 v0, v13;
	v8 =	vmul.f32 v10, v8  }
0x265: {  	v63 =	vor.u32 $0x1, v12;
	[tilespmem:v6+s26+$0x0] =	vst.idx.msk $0xffff, v9  }
0x266: {  	[tilespmem:v7+s26+$0x0] =	vst.idx.msk $0xffff, v8  }
0x267: {  	v8 =	vld.idx.msk [tilespmem:v12+s25+$0x0], $0xffff  }
0x268: {  	v6 =	vld.idx.msk [tilespmem:v14+s22+$0x0], $0xffff  }
0x269: {  	v7 =	vld.idx.msk [tilespmem:v62+s22+$0x0], $0xffff  }
0x26a: {  	v9 =	vld.idx.msk [tilespmem:v63+s25+$0x0], $0xffff;
	_ =	sdelay $0x3  }
0x26b: {  	v7 =	vmul.f32 v7, v8  }
0x26c: {  	v6 =	vmul.f32 v6, v9  }
0x26d: {  	[tilespmem:v62+s26+$0x0] =	vst.idx.msk $0xffff, v7  }
0x26e: {  	[tilespmem:v14+s26+$0x0] =	vst.idx.msk $0xffff, v6  }
0x26f: {  	[spmem:s1] =	stream.indirect.scatter.add.f32 [tilespmem:s26], [sflag:$0x3], $0x20, s18, s9, $0xb8;
	[tilespmem:$0x1FC00] =	vst v63  }
0x270: {  	s4 =	sadd.s32 $0x1, s4  }
0x271: {  	[spmem:s2] =	stream.indirect.scatter.add.f32 [tilespmem:s25], [sflag:$0x3], $0x2, s18, s9, $0xb8;
	[tilespmem:$0x1FC00] =	vst v63  }
0x272: {  	p0 =	sne.s32 s4, $0xC4;
	_ =	swait.ge [sflag:s30], $0x1000  }
.Ltmp2:
0x273: {  	[sflag:s30] =	ssyncset.done $0x0;
	(pc) =	sbr.rel @p0 .LBB2_2-.Ltmp2, $4  }
0x274: {  	[sflag:s30] =	ssyncadd.s32 $0xFFFFF000  }
0x275: {  	_ =	swait.ge [sflag:s30], $0x100  }
0x276: {  	[sflag:s30] =	ssyncset.done $0x0  }
0x277: {  	[sflag:s30] =	ssyncadd.s32 $0xFFFFFF00  }
0x278: {  	_ =	swait.ge [sflag:s24], $0x200  }
0x279: {  	[sflag:s24] =	ssyncset.done $0x0  }
0x27a: {  	[sflag:s24] =	ssyncadd.s32 $0xFFFFFE00  }
0x27b: {  	_ =	swait.ge [sflag:s24], $0x200  }
0x27c: {  	[sflag:s24] =	ssyncset.done $0x0  }
0x27d: {  	[sflag:s24] =	ssyncadd.s32 $0xFFFFFE00  }
0x27e: {  	_ =	swait.ge [sflag:s24], $0x1000  }
0x27f: {  	[sflag:s24] =	ssyncset.done $0x0  }
0x280: {  	[sflag:s24] =	ssyncadd.s32 $0xFFFFF000  }
0x281: {  	[bflag:$0x0] =	sbarrier.arrive $0xFFFF  }
0x282: {  	s23 =	simm.s32 $0x0;
	s4 =	simm.s32 $0x1E780;
	s0 =	rddreg [dreg:$0x11]  }
0x283: {  	[tilespmem:s4], [sflag:$0x5] =	stream.linear.gather [hbm4b:s0+s23], $0x80, $0x38;
	[tilespmem:$0x1FC00] =	vst v63  }
0x284: {  	_ =	swait.ge [sflag:s3], $0x80  }
0x285: {  	[sflag:s3] =	ssyncset.done $0x0  }
0x286: {  	s12 =	simm.s32 $0x1E800;
	s21 =	simm.s32 $0x4;
	[sflag:s3] =	ssyncadd.s32 $0xFFFFFF80  }
0x287: {  	[tilespmem:s12], [sflag:$0x4] =	stream.indirect.gather [spmem:s1], $0x20, s4, s9, $0xb8;
	[tilespmem:$0x1FC00] =	vst v63  }
0x288: {  	_ =	swait.ge [sflag:s21], $0x1000  }
0x289: {  	[sflag:s21] =	ssyncset.done $0x0  }
0x28a: {  	s28 =	simm.s32 $0x1F800;
	[sflag:s21] =	ssyncadd.s32 $0xFFFFF000  }
0x28b: {  	[tilespmem:s28], [sflag:$0x4] =	stream.indirect.gather [spmem:s2], $0x2, s4, s9, $0xb8;
	[tilespmem:$0x1FC00] =	vst v63  }
0x28c: {  	_ =	swait.ge [sflag:s21], $0x100  }
0x28d: {  	[sflag:s21] =	ssyncset.done $0x0  }
0x28e: {  	s0 =	rddreg [dreg:$0x5];
	[sflag:s21] =	ssyncadd.s32 $0xFFFFFF00  }
0x28f: {  	[hbm4b:s0+s23] =	stream.linear.scatter [tilespmem:s12], [sflag:$0x5], $0x1000, $0x38;
	[tilespmem:$0x1FC00] =	vst v63  }
0x290: {  	_ =	swait.ge [sflag:s3], $0x1000  }
0x291: {  	[sflag:s3] =	ssyncset.done $0x0  }
0x292: {  	s0 =	rddreg [dreg:$0x9];
	[sflag:s3] =	ssyncadd.s32 $0xFFFFF000  }
0x293: {  	[hbm4b:s0+s23] =	stream.linear.scatter [tilespmem:s28], [sflag:$0x5], $0x400, $0x38;
	[tilespmem:$0x1FC00] =	vst v63  }
0x294: {  	_ =	swait.ge [sflag:s3], $0x400  }
0x295: {  	[sflag:s3] =	ssyncset.done $0x0  }
0x296: {  	s0 =	rddreg [dreg:$0xe];
	[sflag:s3] =	ssyncadd.s32 $0xFFFFFC00  }
0x297: {  	[tilespmem:s4], [sflag:$0x5] =	stream.linear.gather [hbm4b:s0+s23], $0x80, $0x38;
	[tilespmem:$0x1FC00] =	vst v63  }
0x298: {  	_ =	swait.ge [sflag:s3], $0x80  }
0x299: {  	[sflag:s3] =	ssyncset.done $0x0  }
0x29a: {  	[sflag:s3] =	ssyncadd.s32 $0xFFFFFF80  }
0x29b: {  	[tilespmem:s12], [sflag:$0x4] =	stream.indirect.gather [spmem:s1], $0x20, s4, s9, $0xb8;
	[tilespmem:$0x1FC00] =	vst v63  }
0x29c: {  	_ =	swait.ge [sflag:s21], $0x1000  }
0x29d: {  	[sflag:s21] =	ssyncset.done $0x0  }
0x29e: {  	[sflag:s21] =	ssyncadd.s32 $0xFFFFF000  }
0x29f: {  	[tilespmem:s28], [sflag:$0x4] =	stream.indirect.gather [spmem:s2], $0x2, s4, s9, $0xb8;
	[tilespmem:$0x1FC00] =	vst v63  }
0x2a0: {  	_ =	swait.ge [sflag:s21], $0x100  }
0x2a1: {  	[sflag:s21] =	ssyncset.done $0x0  }
0x2a2: {  	s0 =	rddreg [dreg:$0x6];
	[sflag:s21] =	ssyncadd.s32 $0xFFFFFF00  }
0x2a3: {  	[hbm4b:s0+s23] =	stream.linear.scatter [tilespmem:s12], [sflag:$0x5], $0x1000, $0x38;
	[tilespmem:$0x1FC00] =	vst v63  }
0x2a4: {  	_ =	swait.ge [sflag:s3], $0x1000  }
0x2a5: {  	[sflag:s3] =	ssyncset.done $0x0  }
0x2a6: {  	s0 =	rddreg [dreg:$0xa];
	[sflag:s3] =	ssyncadd.s32 $0xFFFFF000  }
0x2a7: {  	[hbm4b:s0+s23] =	stream.linear.scatter [tilespmem:s28], [sflag:$0x5], $0x400, $0x38;
	[tilespmem:$0x1FC00] =	vst v63  }
0x2a8: {  	_ =	swait.ge [sflag:s3], $0x400  }
0x2a9: {  	[sflag:s3] =	ssyncset.done $0x0  }
0x2aa: {  	s0 =	rddreg [dreg:$0xf];
	[sflag:s3] =	ssyncadd.s32 $0xFFFFFC00  }
0x2ab: {  	[tilespmem:s4], [sflag:$0x5] =	stream.linear.gather [hbm4b:s0+s23], $0x80, $0x38;
	[tilespmem:$0x1FC00] =	vst v63  }
0x2ac: {  	_ =	swait.ge [sflag:s3], $0x80  }
0x2ad: {  	[sflag:s3] =	ssyncset.done $0x0  }
0x2ae: {  	[sflag:s3] =	ssyncadd.s32 $0xFFFFFF80  }
0x2af: {  	[tilespmem:s12], [sflag:$0x4] =	stream.indirect.gather [spmem:s1], $0x20, s4, s9, $0xb8;
	[tilespmem:$0x1FC00] =	vst v63  }
0x2b0: {  	_ =	swait.ge [sflag:s21], $0x1000  }
0x2b1: {  	[sflag:s21] =	ssyncset.done $0x0  }
0x2b2: {  	[sflag:s21] =	ssyncadd.s32 $0xFFFFF000  }
0x2b3: {  	[tilespmem:s28], [sflag:$0x4] =	stream.indirect.gather [spmem:s2], $0x2, s4, s9, $0xb8;
	[tilespmem:$0x1FC00] =	vst v63  }
0x2b4: {  	_ =	swait.ge [sflag:s21], $0x100  }
0x2b5: {  	[sflag:s21] =	ssyncset.done $0x0  }
0x2b6: {  	s0 =	rddreg [dreg:$0x7];
	[sflag:s21] =	ssyncadd.s32 $0xFFFFFF00  }
0x2b7: {  	[hbm4b:s0+s23] =	stream.linear.scatter [tilespmem:s12], [sflag:$0x5], $0x1000, $0x38;
	[tilespmem:$0x1FC00] =	vst v63  }
0x2b8: {  	_ =	swait.ge [sflag:s3], $0x1000  }
0x2b9: {  	[sflag:s3] =	ssyncset.done $0x0  }
0x2ba: {  	s0 =	rddreg [dreg:$0xb];
	[sflag:s3] =	ssyncadd.s32 $0xFFFFF000  }
0x2bb: {  	[hbm4b:s0+s23] =	stream.linear.scatter [tilespmem:s28], [sflag:$0x5], $0x400, $0x38;
	[tilespmem:$0x1FC00] =	vst v63  }
0x2bc: {  	_ =	swait.ge [sflag:s3], $0x400  }
0x2bd: {  	[sflag:s3] =	ssyncset.done $0x0  }
0x2be: {  	s0 =	rddreg [dreg:$0x10];
	[sflag:s3] =	ssyncadd.s32 $0xFFFFFC00  }
0x2bf: {  	[tilespmem:s4], [sflag:$0x5] =	stream.linear.gather [hbm4b:s0+s23], $0x80, $0x38;
	[tilespmem:$0x1FC00] =	vst v63  }
0x2c0: {  	_ =	swait.ge [sflag:s3], $0x80  }
0x2c1: {  	[sflag:s3] =	ssyncset.done $0x0  }
0x2c2: {  	[sflag:s3] =	ssyncadd.s32 $0xFFFFFF80  }
0x2c3: {  	[tilespmem:s12], [sflag:$0x4] =	stream.indirect.gather [spmem:s1], $0x20, s4, s9, $0xb8;
	[tilespmem:$0x1FC00] =	vst v63  }
0x2c4: {  	_ =	swait.ge [sflag:s21], $0x1000  }
0x2c5: {  	[sflag:s21] =	ssyncset.done $0x0  }
0x2c6: {  	[sflag:s21] =	ssyncadd.s32 $0xFFFFF000  }
0x2c7: {  	[tilespmem:s28], [sflag:$0x4] =	stream.indirect.gather [spmem:s2], $0x2, s4, s9, $0xb8;
	[tilespmem:$0x1FC00] =	vst v63  }
0x2c8: {  	_ =	swait.ge [sflag:s21], $0x100  }
0x2c9: {  	[sflag:s21] =	ssyncset.done $0x0  }
0x2ca: {  	[sflag:s21] =	ssyncadd.s32 $0xFFFFFF00;
	s21 =	rddreg [dreg:$0x8]  }
0x2cb: {  	[hbm4b:s21+s23] =	stream.linear.scatter [tilespmem:s12], [sflag:$0x5], $0x1000, $0x38;
	[tilespmem:$0x1FC00] =	vst v63  }
0x2cc: {  	_ =	swait.ge [sflag:s3], $0x1000  }
0x2cd: {  	[sflag:s3] =	ssyncset.done $0x0  }
0x2ce: {  	s4 =	rddreg [dreg:$0xc];
	[sflag:s3] =	ssyncadd.s32 $0xFFFFF000  }
0x2cf: {  	[hbm4b:s4+s23] =	stream.linear.scatter [tilespmem:s28], [sflag:$0x5], $0x400, $0x38;
	[tilespmem:$0x1FC00] =	vst v63  }
0x2d0: {  	s28 =	rddreg [dreg:$0x19];
	_ =	swait.ge [sflag:s3], $0x400  }
0x2d1: {  	s12 =	rddreg [dreg:$0x1a]  }
0x2d2: {  	s21 =	rddreg [dreg:$0x16];
	s4 =	sadd.s32 $0x1, s12  }
0x2d3: {  	p0 =	sne.s32 s4, s21  }
.Ltmp3:
0x2d4: {  	_ = 	snop;
	(pc) =	sbr.rel @p0 .LBB2_1-.Ltmp3, $3  }
0x2d5: {  	_ =	sdelay $0x1  }
0x2d6: {  	[sflag:s3] =	ssyncset.done $0x0  }
0x2d7: {  	[sflag:s3] =	ssyncadd.s32 $0xFFFFFC00  }
0x2d8: {  	_ =	sfence.sel $0x180000  }
0x2d9: {  	[bflag:$0x0] =	sbarrier.arrive $0xFFFF  }
0x2da: {  	_ =	strace $0x90000047  }
0x2db: {  	s0 =	stileid.u32;
	[bflag:$0x2] =	sbarrier.arrive $0xFFFF  }
0x2dc: {  	p0 =	sne.s32 s0, $0x0;
	s0 =	rddreg [dreg:$0x4]  }
0x2dd: {  	s0 =	sadd.s32 @!p0 $0x100000, s0  }
0x2de: {  	[sflag:s0] =	ssyncadd.tile.s32 @!p0 $0x1;
	_ =	shalt  }
.Lfunc_end2:
_tile_overlayer_lowered:
.L_overlay_start_2:
0x2df: {  	(tag) =	ssettag $0x2  }
0x2e0: {  	s0 =	rddreg [dreg:$0x0];
	s2 =	stileid.u32  }
0x2e1: {  	s1 =	rddreg [dreg:$0x1];
	p0 =	sne.s32 s2, $0x0  }
0x2e2: {  	s3 =	rddreg [dreg:$0x2];
	[bflag:$0x3] =	sbarrier.arrive $0xFFFF;
	s2 =	simm.s32 @!p0 $0x1C05  }
0x2e3: {  	[timem:s3], [sflag:s2] =	dma.local @!p0 [hbm:s0], s1  }
0x2e4: {  	s0 =	simm.s32 @!p0 $0x5  }
0x2e5: {  	_ =	swait.ge @!p0 [sflag:s0], s1  }
0x2e6: {  	s1 =	ssub.s32 @!p0 $0x0, s1;
	[sflag:s0] =	ssyncset.done @!p0 $0x0  }
0x2e7: {  	[sflag:s0] =	ssyncadd.s32 @!p0 s1  }
0x2e8: {  	[bflag:$0x3] =	sbarrier.arrive $0xFFFF  }
0x2e9: {  	_ =	shalt  }

</sc_bundles>
